<compile_context>
chip_gen: v7x
topology: tpu7x:2x2x1
jax: 0.10.2.dev20260603
libtpu: 0.0.44.dev20260713+nightly
codegen_flags: <defaults>
</compile_context>

<pallas_src>
import functools

import jax
import jax.numpy as jnp
from jax import lax
from jax.experimental import pallas as pl
from jax.experimental.pallas import tpu as pltpu
from jax.experimental.pallas import tpu_sc as plsc

_VOCAB = 1000000
_DIM = 64
_B = 16384
_NC, _NS = 2, 16
_NW = _NC * _NS
_BPW = _B // _NW
_CH = 128
_NCHUNK = _BPW // _CH
_LANES = 16
_OROW = _BPW * _LANES // 128


def _sc_partials(center2d, pos2d, neg2d, input_emb, output_emb):
    mesh = plsc.VectorSubcoreMesh(core_axis_name="c", subcore_axis_name="s")

    @functools.partial(
        pl.kernel,
        out_type=[
            jax.ShapeDtypeStruct((_B * _LANES // 128, 128), jnp.float32),
            jax.ShapeDtypeStruct((_B * _LANES // 128, 128), jnp.float32),
        ],
        mesh=mesh,
        compiler_params=pltpu.CompilerParams(needs_layout_passes=False),
        scratch_types=[
            pltpu.VMEM((2 * _CH,), jnp.int32),
            pltpu.VMEM((2 * _CH,), jnp.int32),
            pltpu.VMEM((2 * _CH,), jnp.int32),
            pltpu.VMEM((2 * _CH, _DIM), jnp.float32),
            pltpu.VMEM((2 * _CH, _DIM), jnp.float32),
            pltpu.VMEM((2 * _CH, _DIM), jnp.float32),
            pltpu.VMEM((_OROW, 128), jnp.float32),
            pltpu.VMEM((_OROW, 128), jnp.float32),
            pltpu.SemaphoreType.DMA,
            pltpu.SemaphoreType.DMA,
            pltpu.SemaphoreType.DMA,
            pltpu.SemaphoreType.DMA,
            pltpu.SemaphoreType.DMA,
            pltpu.SemaphoreType.DMA,
        ],
    )
    def k(center_hbm, pos_hbm, neg_hbm, in_emb, out_emb, dummy_hbm,
          opos_hbm, oneg_hbm,
          cids, pids, nids, vbuf, pbuf, nbuf, tpos, tneg,
          sem0, sem1, sem2, sem3, sem4, sem5):
        wid = lax.axis_index("s") * _NC + lax.axis_index("c")
        sems = [[sem0, sem1, sem2], [sem3, sem4, sem5]]

        def stage(j, slot):
            row = wid * _NCHUNK + j
            sl = pl.ds(slot * _CH, _CH)
            pltpu.sync_copy(center_hbm.at[row], cids.at[sl])
            pltpu.sync_copy(pos_hbm.at[row], pids.at[sl])
            pltpu.sync_copy(neg_hbm.at[row], nids.at[sl])

        def scalar_at(ref, i):
            lane = jnp.full((_LANES,), i, jnp.int32)
            return jnp.max(plsc.load_gather(ref, [lane]))

        def fire(slot):
            def fbody(i, carry):
                r = slot * _CH + i
                ci = scalar_at(cids, r)
                pi = scalar_at(pids, r)
                ni = scalar_at(nids, r)
                pltpu.async_copy(in_emb.at[ci], vbuf.at[r], sems[slot][0])
                pltpu.async_copy(out_emb.at[pi], pbuf.at[r], sems[slot][1])
                pltpu.async_copy(out_emb.at[ni], nbuf.at[r], sems[slot][2])
                return carry

            lax.fori_loop(0, _CH, fbody, 0)

        def drain(slot):
            def dbody(i, carry):
                r = slot * _CH + i
                pltpu.make_async_copy(dummy_hbm, vbuf.at[r], sems[slot][0]).wait()
                pltpu.make_async_copy(dummy_hbm, pbuf.at[r], sems[slot][1]).wait()
                pltpu.make_async_copy(dummy_hbm, nbuf.at[r], sems[slot][2]).wait()
                return carry

            lax.fori_loop(0, _CH, dbody, 0)

        def compute(j, slot):
            def body(i, carry):
                r = slot * _CH + i
                v = [vbuf[r, pl.ds(m * _LANES, _LANES)] for m in range(4)]
                p = [pbuf[r, pl.ds(m * _LANES, _LANES)] for m in range(4)]
                n = [nbuf[r, pl.ds(m * _LANES, _LANES)] for m in range(4)]
                ap = v[0] * p[0] + v[1] * p[1] + v[2] * p[2] + v[3] * p[3]
                an = v[0] * n[0] + v[1] * n[1] + v[2] * n[2] + v[3] * n[3]
                flat = (j * _CH + i) * _LANES
                r = flat // 128
                c = flat % 128
                tpos[r, pl.ds(c, _LANES)] = ap
                tneg[r, pl.ds(c, _LANES)] = an
                return carry

            lax.fori_loop(0, _CH, body, 0)

        stage(0, 0)
        fire(0)
        for j in range(_NCHUNK):
            slot = j % 2
            if j + 1 < _NCHUNK:
                stage(j + 1, (j + 1) % 2)
                fire((j + 1) % 2)
            drain(slot)
            compute(j, slot)

        base = wid * _OROW
        pltpu.sync_copy(tpos, opos_hbm.at[pl.ds(base, _OROW)])
        pltpu.sync_copy(tneg, oneg_hbm.at[pl.ds(base, _OROW)])

    dummy = jnp.zeros((_DIM,), jnp.float32)
    return k(center2d, pos2d, neg2d, input_emb, output_emb, dummy)


def _tc_loss(tpos, tneg):

    def body(p_ref, n_ref, o_ref):
        gk = jax.lax.broadcasted_iota(jnp.int32, (128, 8), 0) // _LANES
        gg = jax.lax.broadcasted_iota(jnp.int32, (128, 8), 1)
        g = (gk == gg).astype(jnp.float32)
        ps = jnp.dot(p_ref[...], g, preferred_element_type=jnp.float32)
        ns = jnp.dot(n_ref[...], g, preferred_element_type=jnp.float32)
        sp = jax.nn.sigmoid(ps)
        sn = jax.nn.sigmoid(ns)
        loss = (-jnp.mean(jnp.log(sp + 1e-09))
                - jnp.mean(jnp.log(1.0 - sn + 1e-09)))
        o_ref[...] = jnp.broadcast_to(loss, (1, 1))

    out = pl.pallas_call(
        body,
        out_shape=jax.ShapeDtypeStruct((1, 1), jnp.float32),
    )(tpos, tneg)
    return out[0, 0]


def kernel(center, pos, neg, input_emb, output_emb):
    center2d = center.astype(jnp.int32).reshape(_NW * _NCHUNK, _CH)
    pos2d = pos.astype(jnp.int32).reshape(_NW * _NCHUNK, _CH)
    neg2d = neg.astype(jnp.int32).reshape(_NW * _NCHUNK, _CH)
    tpos, tneg = _sc_partials(center2d, pos2d, neg2d, input_emb, output_emb)
    return _tc_loss(tpos, tneg)

# --- scband reference (transcript-rebuilt; emitter-appended) ---
"""Pipeline reference for scband-skip-gram-neg-53060025975358 (READ-ONLY COPY).

The authoritative reference and input builder live on the scoring server;
editing this copy changes nothing except your own understanding.
"""

import jax, jax.numpy as jnp
import numpy as np

VOCAB = 1000000
DIM = 64
B = 16384

def setup_inputs(seed: int = 0) -> dict:
    key = jax.random.key(seed)
    k1, k2, k3, k4, k5 = jax.random.split(key, 5)
    center = jax.random.randint(k1, (B,), 0, VOCAB, dtype=jnp.int64 if jax.config.jax_enable_x64 else jnp.int32)
    pos = jax.random.randint(k2, (B,), 0, VOCAB, dtype=center.dtype)
    neg = jax.random.randint(k3, (B,), 0, VOCAB, dtype=center.dtype)
    input_emb = jax.random.normal(k4, (VOCAB, DIM), dtype=jnp.float32)
    output_emb = jax.random.normal(k5, (VOCAB, DIM), dtype=jnp.float32)
    return {"center": center, "pos": pos, "neg": neg, "input_emb": input_emb, "output_emb": output_emb}

def reference(center, pos, neg, input_emb, output_emb):
    v = jnp.take(input_emb, center, axis=0)
    u_pos = jnp.take(output_emb, pos, axis=0)
    u_neg = jnp.take(output_emb, neg, axis=0)
    pos_score = jnp.sum(v * u_pos, axis=1)
    neg_score = jnp.sum(v * u_neg, axis=1)
    loss = -jnp.mean(jnp.log(jax.nn.sigmoid(pos_score) + 1e-09)) - jnp.mean(jnp.log(1.0 - jax.nn.sigmoid(neg_score) + 1e-09))
    return loss

if __name__ == "__main__":
    import jax
    _d = setup_inputs()
    print(jax.jit(kernel)(*tuple(_d.values())))

</pallas_src>

<mosaic_0001>
#map = affine_map<(d0, d1) -> (0, 0)>
#map1 = affine_map<(d0, d1) -> (0)>
module attributes {stable_mosaic.version = 14 : i64} {
  func.func @k(%arg0: i32, %arg1: i32, %arg2: memref<128x128xi32, #tpu.memory_space<hbm>>, %arg3: memref<128x128xi32, #tpu.memory_space<hbm>>, %arg4: memref<128x128xi32, #tpu.memory_space<hbm>>, %arg5: memref<1000000x64xf32, #tpu.memory_space<hbm>>, %arg6: memref<1000000x64xf32, #tpu.memory_space<hbm>>, %arg7: memref<64xf32, #tpu.memory_space<hbm>>, %arg8: memref<2048x128xf32, #tpu.memory_space<hbm>>, %arg9: memref<2048x128xf32, #tpu.memory_space<hbm>>, %arg10: memref<256xi32, #tpu.memory_space<vmem>>, %arg11: memref<256xi32, #tpu.memory_space<vmem>>, %arg12: memref<256xi32, #tpu.memory_space<vmem>>, %arg13: memref<256x64xf32, #tpu.memory_space<vmem>>, %arg14: memref<256x64xf32, #tpu.memory_space<vmem>>, %arg15: memref<256x64xf32, #tpu.memory_space<vmem>>, %arg16: memref<64x128xf32, #tpu.memory_space<vmem>>, %arg17: memref<64x128xf32, #tpu.memory_space<vmem>>, %arg18: memref<!tpu.dma_semaphore, #tpu.memory_space<semaphore_mem>>, %arg19: memref<!tpu.dma_semaphore, #tpu.memory_space<semaphore_mem>>, %arg20: memref<!tpu.dma_semaphore, #tpu.memory_space<semaphore_mem>>, %arg21: memref<!tpu.dma_semaphore, #tpu.memory_space<semaphore_mem>>, %arg22: memref<!tpu.dma_semaphore, #tpu.memory_space<semaphore_mem>>, %arg23: memref<!tpu.dma_semaphore, #tpu.memory_space<semaphore_mem>>) attributes {dimension_semantics = [#tpu.dimension_semantics<core_parallel>, #tpu.dimension_semantics<subcore_parallel>], iteration_bounds = array<i64: 2, 16>, scalar_prefetch = 0 : i64, scratch_operands = 14 : i64, tpu.core_type = #tpu.core_type<sc_vector_subcore>, window_params = [{transform_indices = #map}, {transform_indices = #map}, {transform_indices = #map}, {transform_indices = #map}, {transform_indices = #map}, {transform_indices = #map1}, {transform_indices = #map}, {transform_indices = #map}]} {
    %mul3A = arith.constant 2 : i32
    %mul3A_0 = arith.muli %arg1, %mul3A : i32
    %add3A = arith.addi %mul3A_0, %arg0 : i32
    %mul3A_1 = arith.constant 4 : i32
    %mul3A_2 = arith.muli %add3A, %mul3A_1 : i32
    %add3A_3 = arith.constant 0 : i32
    %add3A_4 = arith.addi %mul3A_2, %add3A_3 : i32
    "tpu.region"() ({
      %run_scoped3A = tpu.sem_alloc : memref<!tpu.dma_semaphore, #tpu.memory_space<semaphore_mem>>
      %dma_start3A = arith.constant 0 : i32
      %dma_start3A_90 = tpu.memref_slice %arg10[%dma_start3A] : memref<256xi32, #tpu.memory_space<vmem>> -> memref<128xi32, #tpu.memory_space<vmem>>
      %dma_start3A_91 = arith.constant 0 : i32
      %dma_start3A_92 = tpu.memref_slice %arg2[%add3A_4, %dma_start3A_91] : memref<128x128xi32, #tpu.memory_space<hbm>> -> memref<1x128xi32, #tpu.memory_space<hbm>>
      %dma_start3A_93 = tpu.memref_squeeze %dma_start3A_92 : memref<1x128xi32, #tpu.memory_space<hbm>> -> memref<128xi32, #tpu.memory_space<hbm>>
      %dma_start3A_94 = arith.constant 0 : i32
      %dma_start3A_95 = tpu.memref_slice %arg10[%dma_start3A_94] : memref<256xi32, #tpu.memory_space<vmem>> -> memref<128xi32, #tpu.memory_space<vmem>>
      %dma_start3A_96 = arith.constant 0 : i32
      %dma_start3A_97 = tpu.memref_slice %arg2[%add3A_4, %dma_start3A_96] : memref<128x128xi32, #tpu.memory_space<hbm>> -> memref<1x128xi32, #tpu.memory_space<hbm>>
      %dma_start3A_98 = tpu.memref_squeeze %dma_start3A_97 : memref<1x128xi32, #tpu.memory_space<hbm>> -> memref<128xi32, #tpu.memory_space<hbm>>
      tpu.enqueue_dma source(%dma_start3A_98 : memref<128xi32, #tpu.memory_space<hbm>>) target(%dma_start3A_95 : memref<128xi32, #tpu.memory_space<vmem>>) target_semaphore(%run_scoped3A : memref<!tpu.dma_semaphore, #tpu.memory_space<semaphore_mem>>)
      %dma_wait3A = arith.constant 0 : i32
      %dma_wait3A_99 = tpu.memref_slice %arg10[%dma_wait3A] : memref<256xi32, #tpu.memory_space<vmem>> -> memref<128xi32, #tpu.memory_space<vmem>>
      %dma_wait3A_100 = arith.constant 0 : i32
      %dma_wait3A_101 = tpu.memref_slice %arg2[%add3A_4, %dma_wait3A_100] : memref<128x128xi32, #tpu.memory_space<hbm>> -> memref<1x128xi32, #tpu.memory_space<hbm>>
      %dma_wait3A_102 = tpu.memref_squeeze %dma_wait3A_101 : memref<1x128xi32, #tpu.memory_space<hbm>> -> memref<128xi32, #tpu.memory_space<hbm>>
      %dma_wait3A_103 = arith.constant 0 : i32
      %dma_wait3A_104 = tpu.memref_slice %arg10[%dma_wait3A_103] : memref<256xi32, #tpu.memory_space<vmem>> -> memref<128xi32, #tpu.memory_space<vmem>>
      %dma_wait3A_105 = arith.constant 0 : i32
      %dma_wait3A_106 = tpu.memref_slice %arg2[%add3A_4, %dma_wait3A_105] : memref<128x128xi32, #tpu.memory_space<hbm>> -> memref<1x128xi32, #tpu.memory_space<hbm>>
      %dma_wait3A_107 = tpu.memref_squeeze %dma_wait3A_106 : memref<1x128xi32, #tpu.memory_space<hbm>> -> memref<128xi32, #tpu.memory_space<hbm>>
      tpu.wait_dma2 semaphore(%run_scoped3A : memref<!tpu.dma_semaphore, #tpu.memory_space<semaphore_mem>>) src(%dma_wait3A_107 : memref<128xi32, #tpu.memory_space<hbm>>) dst(%dma_wait3A_104 : memref<128xi32, #tpu.memory_space<vmem>>)
      tpu.yield
    }) : () -> ()
    "tpu.region"() ({
      %run_scoped3A = tpu.sem_alloc : memref<!tpu.dma_semaphore, #tpu.memory_space<semaphore_mem>>
      %dma_start3A = arith.constant 0 : i32
      %dma_start3A_90 = tpu.memref_slice %arg11[%dma_start3A] : memref<256xi32, #tpu.memory_space<vmem>> -> memref<128xi32, #tpu.memory_space<vmem>>
      %dma_start3A_91 = arith.constant 0 : i32
      %dma_start3A_92 = tpu.memref_slice %arg3[%add3A_4, %dma_start3A_91] : memref<128x128xi32, #tpu.memory_space<hbm>> -> memref<1x128xi32, #tpu.memory_space<hbm>>
      %dma_start3A_93 = tpu.memref_squeeze %dma_start3A_92 : memref<1x128xi32, #tpu.memory_space<hbm>> -> memref<128xi32, #tpu.memory_space<hbm>>
      %dma_start3A_94 = arith.constant 0 : i32
      %dma_start3A_95 = tpu.memref_slice %arg11[%dma_start3A_94] : memref<256xi32, #tpu.memory_space<vmem>> -> memref<128xi32, #tpu.memory_space<vmem>>
      %dma_start3A_96 = arith.constant 0 : i32
      %dma_start3A_97 = tpu.memref_slice %arg3[%add3A_4, %dma_start3A_96] : memref<128x128xi32, #tpu.memory_space<hbm>> -> memref<1x128xi32, #tpu.memory_space<hbm>>
      %dma_start3A_98 = tpu.memref_squeeze %dma_start3A_97 : memref<1x128xi32, #tpu.memory_space<hbm>> -> memref<128xi32, #tpu.memory_space<hbm>>
      tpu.enqueue_dma source(%dma_start3A_98 : memref<128xi32, #tpu.memory_space<hbm>>) target(%dma_start3A_95 : memref<128xi32, #tpu.memory_space<vmem>>) target_semaphore(%run_scoped3A : memref<!tpu.dma_semaphore, #tpu.memory_space<semaphore_mem>>)
      %dma_wait3A = arith.constant 0 : i32
      %dma_wait3A_99 = tpu.memref_slice %arg11[%dma_wait3A] : memref<256xi32, #tpu.memory_space<vmem>> -> memref<128xi32, #tpu.memory_space<vmem>>
      %dma_wait3A_100 = arith.constant 0 : i32
      %dma_wait3A_101 = tpu.memref_slice %arg3[%add3A_4, %dma_wait3A_100] : memref<128x128xi32, #tpu.memory_space<hbm>> -> memref<1x128xi32, #tpu.memory_space<hbm>>
      %dma_wait3A_102 = tpu.memref_squeeze %dma_wait3A_101 : memref<1x128xi32, #tpu.memory_space<hbm>> -> memref<128xi32, #tpu.memory_space<hbm>>
      %dma_wait3A_103 = arith.constant 0 : i32
      %dma_wait3A_104 = tpu.memref_slice %arg11[%dma_wait3A_103] : memref<256xi32, #tpu.memory_space<vmem>> -> memref<128xi32, #tpu.memory_space<vmem>>
      %dma_wait3A_105 = arith.constant 0 : i32
      %dma_wait3A_106 = tpu.memref_slice %arg3[%add3A_4, %dma_wait3A_105] : memref<128x128xi32, #tpu.memory_space<hbm>> -> memref<1x128xi32, #tpu.memory_space<hbm>>
      %dma_wait3A_107 = tpu.memref_squeeze %dma_wait3A_106 : memref<1x128xi32, #tpu.memory_space<hbm>> -> memref<128xi32, #tpu.memory_space<hbm>>
      tpu.wait_dma2 semaphore(%run_scoped3A : memref<!tpu.dma_semaphore, #tpu.memory_space<semaphore_mem>>) src(%dma_wait3A_107 : memref<128xi32, #tpu.memory_space<hbm>>) dst(%dma_wait3A_104 : memref<128xi32, #tpu.memory_space<vmem>>)
      tpu.yield
    }) : () -> ()
    "tpu.region"() ({
      %run_scoped3A = tpu.sem_alloc : memref<!tpu.dma_semaphore, #tpu.memory_space<semaphore_mem>>
      %dma_start3A = arith.constant 0 : i32
      %dma_start3A_90 = tpu.memref_slice %arg12[%dma_start3A] : memref<256xi32, #tpu.memory_space<vmem>> -> memref<128xi32, #tpu.memory_space<vmem>>
      %dma_start3A_91 = arith.constant 0 : i32
      %dma_start3A_92 = tpu.memref_slice %arg4[%add3A_4, %dma_start3A_91] : memref<128x128xi32, #tpu.memory_space<hbm>> -> memref<1x128xi32, #tpu.memory_space<hbm>>
      %dma_start3A_93 = tpu.memref_squeeze %dma_start3A_92 : memref<1x128xi32, #tpu.memory_space<hbm>> -> memref<128xi32, #tpu.memory_space<hbm>>
      %dma_start3A_94 = arith.constant 0 : i32
      %dma_start3A_95 = tpu.memref_slice %arg12[%dma_start3A_94] : memref<256xi32, #tpu.memory_space<vmem>> -> memref<128xi32, #tpu.memory_space<vmem>>
      %dma_start3A_96 = arith.constant 0 : i32
      %dma_start3A_97 = tpu.memref_slice %arg4[%add3A_4, %dma_start3A_96] : memref<128x128xi32, #tpu.memory_space<hbm>> -> memref<1x128xi32, #tpu.memory_space<hbm>>
      %dma_start3A_98 = tpu.memref_squeeze %dma_start3A_97 : memref<1x128xi32, #tpu.memory_space<hbm>> -> memref<128xi32, #tpu.memory_space<hbm>>
      tpu.enqueue_dma source(%dma_start3A_98 : memref<128xi32, #tpu.memory_space<hbm>>) target(%dma_start3A_95 : memref<128xi32, #tpu.memory_space<vmem>>) target_semaphore(%run_scoped3A : memref<!tpu.dma_semaphore, #tpu.memory_space<semaphore_mem>>)
      %dma_wait3A = arith.constant 0 : i32
      %dma_wait3A_99 = tpu.memref_slice %arg12[%dma_wait3A] : memref<256xi32, #tpu.memory_space<vmem>> -> memref<128xi32, #tpu.memory_space<vmem>>
      %dma_wait3A_100 = arith.constant 0 : i32
      %dma_wait3A_101 = tpu.memref_slice %arg4[%add3A_4, %dma_wait3A_100] : memref<128x128xi32, #tpu.memory_space<hbm>> -> memref<1x128xi32, #tpu.memory_space<hbm>>
      %dma_wait3A_102 = tpu.memref_squeeze %dma_wait3A_101 : memref<1x128xi32, #tpu.memory_space<hbm>> -> memref<128xi32, #tpu.memory_space<hbm>>
      %dma_wait3A_103 = arith.constant 0 : i32
      %dma_wait3A_104 = tpu.memref_slice %arg12[%dma_wait3A_103] : memref<256xi32, #tpu.memory_space<vmem>> -> memref<128xi32, #tpu.memory_space<vmem>>
      %dma_wait3A_105 = arith.constant 0 : i32
      %dma_wait3A_106 = tpu.memref_slice %arg4[%add3A_4, %dma_wait3A_105] : memref<128x128xi32, #tpu.memory_space<hbm>> -> memref<1x128xi32, #tpu.memory_space<hbm>>
      %dma_wait3A_107 = tpu.memref_squeeze %dma_wait3A_106 : memref<1x128xi32, #tpu.memory_space<hbm>> -> memref<128xi32, #tpu.memory_space<hbm>>
      tpu.wait_dma2 semaphore(%run_scoped3A : memref<!tpu.dma_semaphore, #tpu.memory_space<semaphore_mem>>) src(%dma_wait3A_107 : memref<128xi32, #tpu.memory_space<hbm>>) dst(%dma_wait3A_104 : memref<128xi32, #tpu.memory_space<vmem>>)
      tpu.yield
    }) : () -> ()
    %scan3A = arith.constant 0 : i32
    %scan3A_5 = arith.constant 0 : i32
    %scan3A_6 = arith.constant 128 : i32
    %scan3A_7 = arith.addi %scan3A_5, %scan3A_6 : i32
    %scan3A_8 = arith.constant 1 : i32
    scf.for %scan3A_90 = %scan3A_5 to %scan3A_7 step %scan3A_8  : i32 {
      %add3A_91 = arith.constant 0 : i32
      %add3A_92 = arith.addi %add3A_91, %scan3A_90 : i32
      %broadcast_in_dim3A = vector.broadcast %add3A_92 : i32 to vector<16xi32>
      %gather3A = tpu.vector_load_idx %arg10[%broadcast_in_dim3A] : memref<256xi32, #tpu.memory_space<vmem>>[vector<16xi32>], vector<16xi32>,
      %reduce_max3A = arith.constant true
      %reduce_max3A_93 = vector.broadcast %reduce_max3A : i1 to vector<16xi1>
      %reduce_max3A_94 = arith.constant -2147483648 : i32
      %reduce_max3A_95 = vector.broadcast %reduce_max3A_94 : i32 to vector<16xi32>
      %reduce_max3A_96 = arith.xori %gather3A, %reduce_max3A_95 : vector<16xi32>
      %reduce_max3A_97 = tpu.scan <max>, %reduce_max3A_96 masked %reduce_max3A_93 : vector<16xi32>, vector<16xi1> -> vector<16xi32>
      %reduce_max3A_98 = arith.xori %reduce_max3A_97, %reduce_max3A_95 : vector<16xi32>
      %reduce_max3A_99 = vector.extract %reduce_max3A_98[15] : i32 from vector<16xi32>
      %broadcast_in_dim3A_100 = vector.broadcast %add3A_92 : i32 to vector<16xi32>
      %gather3A_101 = tpu.vector_load_idx %arg11[%broadcast_in_dim3A_100] : memref<256xi32, #tpu.memory_space<vmem>>[vector<16xi32>], vector<16xi32>,
      %reduce_max3A_102 = arith.constant true
      %reduce_max3A_103 = vector.broadcast %reduce_max3A_102 : i1 to vector<16xi1>
      %reduce_max3A_104 = arith.constant -2147483648 : i32
      %reduce_max3A_105 = vector.broadcast %reduce_max3A_104 : i32 to vector<16xi32>
      %reduce_max3A_106 = arith.xori %gather3A_101, %reduce_max3A_105 : vector<16xi32>
      %reduce_max3A_107 = tpu.scan <max>, %reduce_max3A_106 masked %reduce_max3A_103 : vector<16xi32>, vector<16xi1> -> vector<16xi32>
      %reduce_max3A_108 = arith.xori %reduce_max3A_107, %reduce_max3A_105 : vector<16xi32>
      %reduce_max3A_109 = vector.extract %reduce_max3A_108[15] : i32 from vector<16xi32>
      %broadcast_in_dim3A_110 = vector.broadcast %add3A_92 : i32 to vector<16xi32>
      %gather3A_111 = tpu.vector_load_idx %arg12[%broadcast_in_dim3A_110] : memref<256xi32, #tpu.memory_space<vmem>>[vector<16xi32>], vector<16xi32>,
      %reduce_max3A_112 = arith.constant true
      %reduce_max3A_113 = vector.broadcast %reduce_max3A_112 : i1 to vector<16xi1>
      %reduce_max3A_114 = arith.constant -2147483648 : i32
      %reduce_max3A_115 = vector.broadcast %reduce_max3A_114 : i32 to vector<16xi32>
      %reduce_max3A_116 = arith.xori %gather3A_111, %reduce_max3A_115 : vector<16xi32>
      %reduce_max3A_117 = tpu.scan <max>, %reduce_max3A_116 masked %reduce_max3A_113 : vector<16xi32>, vector<16xi1> -> vector<16xi32>
      %reduce_max3A_118 = arith.xori %reduce_max3A_117, %reduce_max3A_115 : vector<16xi32>
      %reduce_max3A_119 = vector.extract %reduce_max3A_118[15] : i32 from vector<16xi32>
      %dma_start3A = arith.constant 0 : i32
      %dma_start3A_120 = tpu.memref_slice %arg13[%add3A_92, %dma_start3A] : memref<256x64xf32, #tpu.memory_space<vmem>> -> memref<1x64xf32, #tpu.memory_space<vmem>>
      %dma_start3A_121 = tpu.memref_squeeze %dma_start3A_120 : memref<1x64xf32, #tpu.memory_space<vmem>> -> memref<64xf32, #tpu.memory_space<vmem>>
      %dma_start3A_122 = arith.constant 0 : i32
      %dma_start3A_123 = tpu.memref_slice %arg5[%reduce_max3A_99, %dma_start3A_122] : memref<1000000x64xf32, #tpu.memory_space<hbm>> -> memref<1x64xf32, #tpu.memory_space<hbm>>
      %dma_start3A_124 = tpu.memref_squeeze %dma_start3A_123 : memref<1x64xf32, #tpu.memory_space<hbm>> -> memref<64xf32, #tpu.memory_space<hbm>>
      %dma_start3A_125 = arith.constant 0 : i32
      %dma_start3A_126 = tpu.memref_slice %arg13[%add3A_92, %dma_start3A_125] : memref<256x64xf32, #tpu.memory_space<vmem>> -> memref<1x64xf32, #tpu.memory_space<vmem>>
      %dma_start3A_127 = tpu.memref_squeeze %dma_start3A_126 : memref<1x64xf32, #tpu.memory_space<vmem>> -> memref<64xf32, #tpu.memory_space<vmem>>
      %dma_start3A_128 = arith.constant 0 : i32
      %dma_start3A_129 = tpu.memref_slice %arg5[%reduce_max3A_99, %dma_start3A_128] : memref<1000000x64xf32, #tpu.memory_space<hbm>> -> memref<1x64xf32, #tpu.memory_space<hbm>>
      %dma_start3A_130 = tpu.memref_squeeze %dma_start3A_129 : memref<1x64xf32, #tpu.memory_space<hbm>> -> memref<64xf32, #tpu.memory_space<hbm>>
      tpu.enqueue_dma source(%dma_start3A_130 : memref<64xf32, #tpu.memory_space<hbm>>) target(%dma_start3A_127 : memref<64xf32, #tpu.memory_space<vmem>>) target_semaphore(%arg18 : memref<!tpu.dma_semaphore, #tpu.memory_space<semaphore_mem>>)
      %dma_start3A_131 = arith.constant 0 : i32
      %dma_start3A_132 = tpu.memref_slice %arg14[%add3A_92, %dma_start3A_131] : memref<256x64xf32, #tpu.memory_space<vmem>> -> memref<1x64xf32, #tpu.memory_space<vmem>>
      %dma_start3A_133 = tpu.memref_squeeze %dma_start3A_132 : memref<1x64xf32, #tpu.memory_space<vmem>> -> memref<64xf32, #tpu.memory_space<vmem>>
      %dma_start3A_134 = arith.constant 0 : i32
      %dma_start3A_135 = tpu.memref_slice %arg6[%reduce_max3A_109, %dma_start3A_134] : memref<1000000x64xf32, #tpu.memory_space<hbm>> -> memref<1x64xf32, #tpu.memory_space<hbm>>
      %dma_start3A_136 = tpu.memref_squeeze %dma_start3A_135 : memref<1x64xf32, #tpu.memory_space<hbm>> -> memref<64xf32, #tpu.memory_space<hbm>>
      %dma_start3A_137 = arith.constant 0 : i32
      %dma_start3A_138 = tpu.memref_slice %arg14[%add3A_92, %dma_start3A_137] : memref<256x64xf32, #tpu.memory_space<vmem>> -> memref<1x64xf32, #tpu.memory_space<vmem>>
      %dma_start3A_139 = tpu.memref_squeeze %dma_start3A_138 : memref<1x64xf32, #tpu.memory_space<vmem>> -> memref<64xf32, #tpu.memory_space<vmem>>
      %dma_start3A_140 = arith.constant 0 : i32
      %dma_start3A_141 = tpu.memref_slice %arg6[%reduce_max3A_109, %dma_start3A_140] : memref<1000000x64xf32, #tpu.memory_space<hbm>> -> memref<1x64xf32, #tpu.memory_space<hbm>>
      %dma_start3A_142 = tpu.memref_squeeze %dma_start3A_141 : memref<1x64xf32, #tpu.memory_space<hbm>> -> memref<64xf32, #tpu.memory_space<hbm>>
      tpu.enqueue_dma source(%dma_start3A_142 : memref<64xf32, #tpu.memory_space<hbm>>) target(%dma_start3A_139 : memref<64xf32, #tpu.memory_space<vmem>>) target_semaphore(%arg19 : memref<!tpu.dma_semaphore, #tpu.memory_space<semaphore_mem>>)
      %dma_start3A_143 = arith.constant 0 : i32
      %dma_start3A_144 = tpu.memref_slice %arg15[%add3A_92, %dma_start3A_143] : memref<256x64xf32, #tpu.memory_space<vmem>> -> memref<1x64xf32, #tpu.memory_space<vmem>>
      %dma_start3A_145 = tpu.memref_squeeze %dma_start3A_144 : memref<1x64xf32, #tpu.memory_space<vmem>> -> memref<64xf32, #tpu.memory_space<vmem>>
      %dma_start3A_146 = arith.constant 0 : i32
      %dma_start3A_147 = tpu.memref_slice %arg6[%reduce_max3A_119, %dma_start3A_146] : memref<1000000x64xf32, #tpu.memory_space<hbm>> -> memref<1x64xf32, #tpu.memory_space<hbm>>
      %dma_start3A_148 = tpu.memref_squeeze %dma_start3A_147 : memref<1x64xf32, #tpu.memory_space<hbm>> -> memref<64xf32, #tpu.memory_space<hbm>>
      %dma_start3A_149 = arith.constant 0 : i32
      %dma_start3A_150 = tpu.memref_slice %arg15[%add3A_92, %dma_start3A_149] : memref<256x64xf32, #tpu.memory_space<vmem>> -> memref<1x64xf32, #tpu.memory_space<vmem>>
      %dma_start3A_151 = tpu.memref_squeeze %dma_start3A_150 : memref<1x64xf32, #tpu.memory_space<vmem>> -> memref<64xf32, #tpu.memory_space<vmem>>
      %dma_start3A_152 = arith.constant 0 : i32
      %dma_start3A_153 = tpu.memref_slice %arg6[%reduce_max3A_119, %dma_start3A_152] : memref<1000000x64xf32, #tpu.memory_space<hbm>> -> memref<1x64xf32, #tpu.memory_space<hbm>>
      %dma_start3A_154 = tpu.memref_squeeze %dma_start3A_153 : memref<1x64xf32, #tpu.memory_space<hbm>> -> memref<64xf32, #tpu.memory_space<hbm>>
      tpu.enqueue_dma source(%dma_start3A_154 : memref<64xf32, #tpu.memory_space<hbm>>) target(%dma_start3A_151 : memref<64xf32, #tpu.memory_space<vmem>>) target_semaphore(%arg20 : memref<!tpu.dma_semaphore, #tpu.memory_space<semaphore_mem>>)
    }
    %scan3A_9 = arith.constant 128 : i32
    %mul3A_10 = arith.constant 4 : i32
    %mul3A_11 = arith.muli %add3A, %mul3A_10 : i32
    %add3A_12 = arith.constant 1 : i32
    %add3A_13 = arith.addi %mul3A_11, %add3A_12 : i32
    "tpu.region"() ({
      %run_scoped3A = tpu.sem_alloc : memref<!tpu.dma_semaphore, #tpu.memory_space<semaphore_mem>>
      %dma_start3A = arith.constant 128 : i32
      %dma_start3A_90 = tpu.memref_slice %arg10[%dma_start3A] : memref<256xi32, #tpu.memory_space<vmem>> -> memref<128xi32, #tpu.memory_space<vmem>>
      %dma_start3A_91 = arith.constant 0 : i32
      %dma_start3A_92 = tpu.memref_slice %arg2[%add3A_13, %dma_start3A_91] : memref<128x128xi32, #tpu.memory_space<hbm>> -> memref<1x128xi32, #tpu.memory_space<hbm>>
      %dma_start3A_93 = tpu.memref_squeeze %dma_start3A_92 : memref<1x128xi32, #tpu.memory_space<hbm>> -> memref<128xi32, #tpu.memory_space<hbm>>
      %dma_start3A_94 = arith.constant 128 : i32
      %dma_start3A_95 = tpu.memref_slice %arg10[%dma_start3A_94] : memref<256xi32, #tpu.memory_space<vmem>> -> memref<128xi32, #tpu.memory_space<vmem>>
      %dma_start3A_96 = arith.constant 0 : i32
      %dma_start3A_97 = tpu.memref_slice %arg2[%add3A_13, %dma_start3A_96] : memref<128x128xi32, #tpu.memory_space<hbm>> -> memref<1x128xi32, #tpu.memory_space<hbm>>
      %dma_start3A_98 = tpu.memref_squeeze %dma_start3A_97 : memref<1x128xi32, #tpu.memory_space<hbm>> -> memref<128xi32, #tpu.memory_space<hbm>>
      tpu.enqueue_dma source(%dma_start3A_98 : memref<128xi32, #tpu.memory_space<hbm>>) target(%dma_start3A_95 : memref<128xi32, #tpu.memory_space<vmem>>) target_semaphore(%run_scoped3A : memref<!tpu.dma_semaphore, #tpu.memory_space<semaphore_mem>>)
      %dma_wait3A = arith.constant 128 : i32
      %dma_wait3A_99 = tpu.memref_slice %arg10[%dma_wait3A] : memref<256xi32, #tpu.memory_space<vmem>> -> memref<128xi32, #tpu.memory_space<vmem>>
      %dma_wait3A_100 = arith.constant 0 : i32
      %dma_wait3A_101 = tpu.memref_slice %arg2[%add3A_13, %dma_wait3A_100] : memref<128x128xi32, #tpu.memory_space<hbm>> -> memref<1x128xi32, #tpu.memory_space<hbm>>
      %dma_wait3A_102 = tpu.memref_squeeze %dma_wait3A_101 : memref<1x128xi32, #tpu.memory_space<hbm>> -> memref<128xi32, #tpu.memory_space<hbm>>
      %dma_wait3A_103 = arith.constant 128 : i32
      %dma_wait3A_104 = tpu.memref_slice %arg10[%dma_wait3A_103] : memref<256xi32, #tpu.memory_space<vmem>> -> memref<128xi32, #tpu.memory_space<vmem>>
      %dma_wait3A_105 = arith.constant 0 : i32
      %dma_wait3A_106 = tpu.memref_slice %arg2[%add3A_13, %dma_wait3A_105] : memref<128x128xi32, #tpu.memory_space<hbm>> -> memref<1x128xi32, #tpu.memory_space<hbm>>
      %dma_wait3A_107 = tpu.memref_squeeze %dma_wait3A_106 : memref<1x128xi32, #tpu.memory_space<hbm>> -> memref<128xi32, #tpu.memory_space<hbm>>
      tpu.wait_dma2 semaphore(%run_scoped3A : memref<!tpu.dma_semaphore, #tpu.memory_space<semaphore_mem>>) src(%dma_wait3A_107 : memref<128xi32, #tpu.memory_space<hbm>>) dst(%dma_wait3A_104 : memref<128xi32, #tpu.memory_space<vmem>>)
      tpu.yield
    }) : () -> ()
    "tpu.region"() ({
      %run_scoped3A = tpu.sem_alloc : memref<!tpu.dma_semaphore, #tpu.memory_space<semaphore_mem>>
      %dma_start3A = arith.constant 128 : i32
      %dma_start3A_90 = tpu.memref_slice %arg11[%dma_start3A] : memref<256xi32, #tpu.memory_space<vmem>> -> memref<128xi32, #tpu.memory_space<vmem>>
      %dma_start3A_91 = arith.constant 0 : i32
      %dma_start3A_92 = tpu.memref_slice %arg3[%add3A_13, %dma_start3A_91] : memref<128x128xi32, #tpu.memory_space<hbm>> -> memref<1x128xi32, #tpu.memory_space<hbm>>
      %dma_start3A_93 = tpu.memref_squeeze %dma_start3A_92 : memref<1x128xi32, #tpu.memory_space<hbm>> -> memref<128xi32, #tpu.memory_space<hbm>>
      %dma_start3A_94 = arith.constant 128 : i32
      %dma_start3A_95 = tpu.memref_slice %arg11[%dma_start3A_94] : memref<256xi32, #tpu.memory_space<vmem>> -> memref<128xi32, #tpu.memory_space<vmem>>
      %dma_start3A_96 = arith.constant 0 : i32
      %dma_start3A_97 = tpu.memref_slice %arg3[%add3A_13, %dma_start3A_96] : memref<128x128xi32, #tpu.memory_space<hbm>> -> memref<1x128xi32, #tpu.memory_space<hbm>>
      %dma_start3A_98 = tpu.memref_squeeze %dma_start3A_97 : memref<1x128xi32, #tpu.memory_space<hbm>> -> memref<128xi32, #tpu.memory_space<hbm>>
      tpu.enqueue_dma source(%dma_start3A_98 : memref<128xi32, #tpu.memory_space<hbm>>) target(%dma_start3A_95 : memref<128xi32, #tpu.memory_space<vmem>>) target_semaphore(%run_scoped3A : memref<!tpu.dma_semaphore, #tpu.memory_space<semaphore_mem>>)
      %dma_wait3A = arith.constant 128 : i32
      %dma_wait3A_99 = tpu.memref_slice %arg11[%dma_wait3A] : memref<256xi32, #tpu.memory_space<vmem>> -> memref<128xi32, #tpu.memory_space<vmem>>
      %dma_wait3A_100 = arith.constant 0 : i32
      %dma_wait3A_101 = tpu.memref_slice %arg3[%add3A_13, %dma_wait3A_100] : memref<128x128xi32, #tpu.memory_space<hbm>> -> memref<1x128xi32, #tpu.memory_space<hbm>>
      %dma_wait3A_102 = tpu.memref_squeeze %dma_wait3A_101 : memref<1x128xi32, #tpu.memory_space<hbm>> -> memref<128xi32, #tpu.memory_space<hbm>>
      %dma_wait3A_103 = arith.constant 128 : i32
      %dma_wait3A_104 = tpu.memref_slice %arg11[%dma_wait3A_103] : memref<256xi32, #tpu.memory_space<vmem>> -> memref<128xi32, #tpu.memory_space<vmem>>
      %dma_wait3A_105 = arith.constant 0 : i32
      %dma_wait3A_106 = tpu.memref_slice %arg3[%add3A_13, %dma_wait3A_105] : memref<128x128xi32, #tpu.memory_space<hbm>> -> memref<1x128xi32, #tpu.memory_space<hbm>>
      %dma_wait3A_107 = tpu.memref_squeeze %dma_wait3A_106 : memref<1x128xi32, #tpu.memory_space<hbm>> -> memref<128xi32, #tpu.memory_space<hbm>>
      tpu.wait_dma2 semaphore(%run_scoped3A : memref<!tpu.dma_semaphore, #tpu.memory_space<semaphore_mem>>) src(%dma_wait3A_107 : memref<128xi32, #tpu.memory_space<hbm>>) dst(%dma_wait3A_104 : memref<128xi32, #tpu.memory_space<vmem>>)
      tpu.yield
    }) : () -> ()
    "tpu.region"() ({
      %run_scoped3A = tpu.sem_alloc : memref<!tpu.dma_semaphore, #tpu.memory_space<semaphore_mem>>
      %dma_start3A = arith.constant 128 : i32
      %dma_start3A_90 = tpu.memref_slice %arg12[%dma_start3A] : memref<256xi32, #tpu.memory_space<vmem>> -> memref<128xi32, #tpu.memory_space<vmem>>
      %dma_start3A_91 = arith.constant 0 : i32
      %dma_start3A_92 = tpu.memref_slice %arg4[%add3A_13, %dma_start3A_91] : memref<128x128xi32, #tpu.memory_space<hbm>> -> memref<1x128xi32, #tpu.memory_space<hbm>>
      %dma_start3A_93 = tpu.memref_squeeze %dma_start3A_92 : memref<1x128xi32, #tpu.memory_space<hbm>> -> memref<128xi32, #tpu.memory_space<hbm>>
      %dma_start3A_94 = arith.constant 128 : i32
      %dma_start3A_95 = tpu.memref_slice %arg12[%dma_start3A_94] : memref<256xi32, #tpu.memory_space<vmem>> -> memref<128xi32, #tpu.memory_space<vmem>>
      %dma_start3A_96 = arith.constant 0 : i32
      %dma_start3A_97 = tpu.memref_slice %arg4[%add3A_13, %dma_start3A_96] : memref<128x128xi32, #tpu.memory_space<hbm>> -> memref<1x128xi32, #tpu.memory_space<hbm>>
      %dma_start3A_98 = tpu.memref_squeeze %dma_start3A_97 : memref<1x128xi32, #tpu.memory_space<hbm>> -> memref<128xi32, #tpu.memory_space<hbm>>
      tpu.enqueue_dma source(%dma_start3A_98 : memref<128xi32, #tpu.memory_space<hbm>>) target(%dma_start3A_95 : memref<128xi32, #tpu.memory_space<vmem>>) target_semaphore(%run_scoped3A : memref<!tpu.dma_semaphore, #tpu.memory_space<semaphore_mem>>)
      %dma_wait3A = arith.constant 128 : i32
      %dma_wait3A_99 = tpu.memref_slice %arg12[%dma_wait3A] : memref<256xi32, #tpu.memory_space<vmem>> -> memref<128xi32, #tpu.memory_space<vmem>>
      %dma_wait3A_100 = arith.constant 0 : i32
      %dma_wait3A_101 = tpu.memref_slice %arg4[%add3A_13, %dma_wait3A_100] : memref<128x128xi32, #tpu.memory_space<hbm>> -> memref<1x128xi32, #tpu.memory_space<hbm>>
      %dma_wait3A_102 = tpu.memref_squeeze %dma_wait3A_101 : memref<1x128xi32, #tpu.memory_space<hbm>> -> memref<128xi32, #tpu.memory_space<hbm>>
      %dma_wait3A_103 = arith.constant 128 : i32
      %dma_wait3A_104 = tpu.memref_slice %arg12[%dma_wait3A_103] : memref<256xi32, #tpu.memory_space<vmem>> -> memref<128xi32, #tpu.memory_space<vmem>>
      %dma_wait3A_105 = arith.constant 0 : i32
      %dma_wait3A_106 = tpu.memref_slice %arg4[%add3A_13, %dma_wait3A_105] : memref<128x128xi32, #tpu.memory_space<hbm>> -> memref<1x128xi32, #tpu.memory_space<hbm>>
      %dma_wait3A_107 = tpu.memref_squeeze %dma_wait3A_106 : memref<1x128xi32, #tpu.memory_space<hbm>> -> memref<128xi32, #tpu.memory_space<hbm>>
      tpu.wait_dma2 semaphore(%run_scoped3A : memref<!tpu.dma_semaphore, #tpu.memory_space<semaphore_mem>>) src(%dma_wait3A_107 : memref<128xi32, #tpu.memory_space<hbm>>) dst(%dma_wait3A_104 : memref<128xi32, #tpu.memory_space<vmem>>)
      tpu.yield
    }) : () -> ()
    %scan3A_14 = arith.constant 0 : i32
    %scan3A_15 = arith.constant 0 : i32
    %scan3A_16 = arith.constant 128 : i32
    %scan3A_17 = arith.addi %scan3A_15, %scan3A_16 : i32
    %scan3A_18 = arith.constant 1 : i32
    scf.for %scan3A_90 = %scan3A_15 to %scan3A_17 step %scan3A_18  : i32 {
      %add3A_91 = arith.constant 128 : i32
      %add3A_92 = arith.addi %add3A_91, %scan3A_90 : i32
      %broadcast_in_dim3A = vector.broadcast %add3A_92 : i32 to vector<16xi32>
      %gather3A = tpu.vector_load_idx %arg10[%broadcast_in_dim3A] : memref<256xi32, #tpu.memory_space<vmem>>[vector<16xi32>], vector<16xi32>,
      %reduce_max3A = arith.constant true
      %reduce_max3A_93 = vector.broadcast %reduce_max3A : i1 to vector<16xi1>
      %reduce_max3A_94 = arith.constant -2147483648 : i32
      %reduce_max3A_95 = vector.broadcast %reduce_max3A_94 : i32 to vector<16xi32>
      %reduce_max3A_96 = arith.xori %gather3A, %reduce_max3A_95 : vector<16xi32>
      %reduce_max3A_97 = tpu.scan <max>, %reduce_max3A_96 masked %reduce_max3A_93 : vector<16xi32>, vector<16xi1> -> vector<16xi32>
      %reduce_max3A_98 = arith.xori %reduce_max3A_97, %reduce_max3A_95 : vector<16xi32>
      %reduce_max3A_99 = vector.extract %reduce_max3A_98[15] : i32 from vector<16xi32>
      %broadcast_in_dim3A_100 = vector.broadcast %add3A_92 : i32 to vector<16xi32>
      %gather3A_101 = tpu.vector_load_idx %arg11[%broadcast_in_dim3A_100] : memref<256xi32, #tpu.memory_space<vmem>>[vector<16xi32>], vector<16xi32>,
      %reduce_max3A_102 = arith.constant true
      %reduce_max3A_103 = vector.broadcast %reduce_max3A_102 : i1 to vector<16xi1>
      %reduce_max3A_104 = arith.constant -2147483648 : i32
      %reduce_max3A_105 = vector.broadcast %reduce_max3A_104 : i32 to vector<16xi32>
      %reduce_max3A_106 = arith.xori %gather3A_101, %reduce_max3A_105 : vector<16xi32>
      %reduce_max3A_107 = tpu.scan <max>, %reduce_max3A_106 masked %reduce_max3A_103 : vector<16xi32>, vector<16xi1> -> vector<16xi32>
      %reduce_max3A_108 = arith.xori %reduce_max3A_107, %reduce_max3A_105 : vector<16xi32>
      %reduce_max3A_109 = vector.extract %reduce_max3A_108[15] : i32 from vector<16xi32>
      %broadcast_in_dim3A_110 = vector.broadcast %add3A_92 : i32 to vector<16xi32>
      %gather3A_111 = tpu.vector_load_idx %arg12[%broadcast_in_dim3A_110] : memref<256xi32, #tpu.memory_space<vmem>>[vector<16xi32>], vector<16xi32>,
      %reduce_max3A_112 = arith.constant true
      %reduce_max3A_113 = vector.broadcast %reduce_max3A_112 : i1 to vector<16xi1>
      %reduce_max3A_114 = arith.constant -2147483648 : i32
      %reduce_max3A_115 = vector.broadcast %reduce_max3A_114 : i32 to vector<16xi32>
      %reduce_max3A_116 = arith.xori %gather3A_111, %reduce_max3A_115 : vector<16xi32>
      %reduce_max3A_117 = tpu.scan <max>, %reduce_max3A_116 masked %reduce_max3A_113 : vector<16xi32>, vector<16xi1> -> vector<16xi32>
      %reduce_max3A_118 = arith.xori %reduce_max3A_117, %reduce_max3A_115 : vector<16xi32>
      %reduce_max3A_119 = vector.extract %reduce_max3A_118[15] : i32 from vector<16xi32>
      %dma_start3A = arith.constant 0 : i32
      %dma_start3A_120 = tpu.memref_slice %arg13[%add3A_92, %dma_start3A] : memref<256x64xf32, #tpu.memory_space<vmem>> -> memref<1x64xf32, #tpu.memory_space<vmem>>
      %dma_start3A_121 = tpu.memref_squeeze %dma_start3A_120 : memref<1x64xf32, #tpu.memory_space<vmem>> -> memref<64xf32, #tpu.memory_space<vmem>>
      %dma_start3A_122 = arith.constant 0 : i32
      %dma_start3A_123 = tpu.memref_slice %arg5[%reduce_max3A_99, %dma_start3A_122] : memref<1000000x64xf32, #tpu.memory_space<hbm>> -> memref<1x64xf32, #tpu.memory_space<hbm>>
      %dma_start3A_124 = tpu.memref_squeeze %dma_start3A_123 : memref<1x64xf32, #tpu.memory_space<hbm>> -> memref<64xf32, #tpu.memory_space<hbm>>
      %dma_start3A_125 = arith.constant 0 : i32
      %dma_start3A_126 = tpu.memref_slice %arg13[%add3A_92, %dma_start3A_125] : memref<256x64xf32, #tpu.memory_space<vmem>> -> memref<1x64xf32, #tpu.memory_space<vmem>>
      %dma_start3A_127 = tpu.memref_squeeze %dma_start3A_126 : memref<1x64xf32, #tpu.memory_space<vmem>> -> memref<64xf32, #tpu.memory_space<vmem>>
      %dma_start3A_128 = arith.constant 0 : i32
      %dma_start3A_129 = tpu.memref_slice %arg5[%reduce_max3A_99, %dma_start3A_128] : memref<1000000x64xf32, #tpu.memory_space<hbm>> -> memref<1x64xf32, #tpu.memory_space<hbm>>
      %dma_start3A_130 = tpu.memref_squeeze %dma_start3A_129 : memref<1x64xf32, #tpu.memory_space<hbm>> -> memref<64xf32, #tpu.memory_space<hbm>>
      tpu.enqueue_dma source(%dma_start3A_130 : memref<64xf32, #tpu.memory_space<hbm>>) target(%dma_start3A_127 : memref<64xf32, #tpu.memory_space<vmem>>) target_semaphore(%arg21 : memref<!tpu.dma_semaphore, #tpu.memory_space<semaphore_mem>>)
      %dma_start3A_131 = arith.constant 0 : i32
      %dma_start3A_132 = tpu.memref_slice %arg14[%add3A_92, %dma_start3A_131] : memref<256x64xf32, #tpu.memory_space<vmem>> -> memref<1x64xf32, #tpu.memory_space<vmem>>
      %dma_start3A_133 = tpu.memref_squeeze %dma_start3A_132 : memref<1x64xf32, #tpu.memory_space<vmem>> -> memref<64xf32, #tpu.memory_space<vmem>>
      %dma_start3A_134 = arith.constant 0 : i32
      %dma_start3A_135 = tpu.memref_slice %arg6[%reduce_max3A_109, %dma_start3A_134] : memref<1000000x64xf32, #tpu.memory_space<hbm>> -> memref<1x64xf32, #tpu.memory_space<hbm>>
      %dma_start3A_136 = tpu.memref_squeeze %dma_start3A_135 : memref<1x64xf32, #tpu.memory_space<hbm>> -> memref<64xf32, #tpu.memory_space<hbm>>
      %dma_start3A_137 = arith.constant 0 : i32
      %dma_start3A_138 = tpu.memref_slice %arg14[%add3A_92, %dma_start3A_137] : memref<256x64xf32, #tpu.memory_space<vmem>> -> memref<1x64xf32, #tpu.memory_space<vmem>>
      %dma_start3A_139 = tpu.memref_squeeze %dma_start3A_138 : memref<1x64xf32, #tpu.memory_space<vmem>> -> memref<64xf32, #tpu.memory_space<vmem>>
      %dma_start3A_140 = arith.constant 0 : i32
      %dma_start3A_141 = tpu.memref_slice %arg6[%reduce_max3A_109, %dma_start3A_140] : memref<1000000x64xf32, #tpu.memory_space<hbm>> -> memref<1x64xf32, #tpu.memory_space<hbm>>
      %dma_start3A_142 = tpu.memref_squeeze %dma_start3A_141 : memref<1x64xf32, #tpu.memory_space<hbm>> -> memref<64xf32, #tpu.memory_space<hbm>>
      tpu.enqueue_dma source(%dma_start3A_142 : memref<64xf32, #tpu.memory_space<hbm>>) target(%dma_start3A_139 : memref<64xf32, #tpu.memory_space<vmem>>) target_semaphore(%arg22 : memref<!tpu.dma_semaphore, #tpu.memory_space<semaphore_mem>>)
      %dma_start3A_143 = arith.constant 0 : i32
      %dma_start3A_144 = tpu.memref_slice %arg15[%add3A_92, %dma_start3A_143] : memref<256x64xf32, #tpu.memory_space<vmem>> -> memref<1x64xf32, #tpu.memory_space<vmem>>
      %dma_start3A_145 = tpu.memref_squeeze %dma_start3A_144 : memref<1x64xf32, #tpu.memory_space<vmem>> -> memref<64xf32, #tpu.memory_space<vmem>>
      %dma_start3A_146 = arith.constant 0 : i32
      %dma_start3A_147 = tpu.memref_slice %arg6[%reduce_max3A_119, %dma_start3A_146] : memref<1000000x64xf32, #tpu.memory_space<hbm>> -> memref<1x64xf32, #tpu.memory_space<hbm>>
      %dma_start3A_148 = tpu.memref_squeeze %dma_start3A_147 : memref<1x64xf32, #tpu.memory_space<hbm>> -> memref<64xf32, #tpu.memory_space<hbm>>
      %dma_start3A_149 = arith.constant 0 : i32
      %dma_start3A_150 = tpu.memref_slice %arg15[%add3A_92, %dma_start3A_149] : memref<256x64xf32, #tpu.memory_space<vmem>> -> memref<1x64xf32, #tpu.memory_space<vmem>>
      %dma_start3A_151 = tpu.memref_squeeze %dma_start3A_150 : memref<1x64xf32, #tpu.memory_space<vmem>> -> memref<64xf32, #tpu.memory_space<vmem>>
      %dma_start3A_152 = arith.constant 0 : i32
      %dma_start3A_153 = tpu.memref_slice %arg6[%reduce_max3A_119, %dma_start3A_152] : memref<1000000x64xf32, #tpu.memory_space<hbm>> -> memref<1x64xf32, #tpu.memory_space<hbm>>
      %dma_start3A_154 = tpu.memref_squeeze %dma_start3A_153 : memref<1x64xf32, #tpu.memory_space<hbm>> -> memref<64xf32, #tpu.memory_space<hbm>>
      tpu.enqueue_dma source(%dma_start3A_154 : memref<64xf32, #tpu.memory_space<hbm>>) target(%dma_start3A_151 : memref<64xf32, #tpu.memory_space<vmem>>) target_semaphore(%arg23 : memref<!tpu.dma_semaphore, #tpu.memory_space<semaphore_mem>>)
    }
    %scan3A_19 = arith.constant 128 : i32
    %scan3A_20 = arith.constant 0 : i32
    %scan3A_21 = arith.constant 0 : i32
    %scan3A_22 = arith.constant 128 : i32
    %scan3A_23 = arith.addi %scan3A_21, %scan3A_22 : i32
    %scan3A_24 = arith.constant 1 : i32
    scf.for %scan3A_90 = %scan3A_21 to %scan3A_23 step %scan3A_24  : i32 {
      %add3A_91 = arith.constant 0 : i32
      %add3A_92 = arith.addi %add3A_91, %scan3A_90 : i32
      %dma_wait3A = arith.constant 0 : i32
      %dma_wait3A_93 = tpu.memref_slice %arg13[%add3A_92, %dma_wait3A] : memref<256x64xf32, #tpu.memory_space<vmem>> -> memref<1x64xf32, #tpu.memory_space<vmem>>
      %dma_wait3A_94 = tpu.memref_squeeze %dma_wait3A_93 : memref<1x64xf32, #tpu.memory_space<vmem>> -> memref<64xf32, #tpu.memory_space<vmem>>
      %dma_wait3A_95 = arith.constant 0 : i32
      %dma_wait3A_96 = tpu.memref_slice %arg13[%add3A_92, %dma_wait3A_95] : memref<256x64xf32, #tpu.memory_space<vmem>> -> memref<1x64xf32, #tpu.memory_space<vmem>>
      %dma_wait3A_97 = tpu.memref_squeeze %dma_wait3A_96 : memref<1x64xf32, #tpu.memory_space<vmem>> -> memref<64xf32, #tpu.memory_space<vmem>>
      tpu.wait_dma2 semaphore(%arg18 : memref<!tpu.dma_semaphore, #tpu.memory_space<semaphore_mem>>) src(%arg7 : memref<64xf32, #tpu.memory_space<hbm>>) dst(%dma_wait3A_97 : memref<64xf32, #tpu.memory_space<vmem>>)
      %dma_wait3A_98 = arith.constant 0 : i32
      %dma_wait3A_99 = tpu.memref_slice %arg14[%add3A_92, %dma_wait3A_98] : memref<256x64xf32, #tpu.memory_space<vmem>> -> memref<1x64xf32, #tpu.memory_space<vmem>>
      %dma_wait3A_100 = tpu.memref_squeeze %dma_wait3A_99 : memref<1x64xf32, #tpu.memory_space<vmem>> -> memref<64xf32, #tpu.memory_space<vmem>>
      %dma_wait3A_101 = arith.constant 0 : i32
      %dma_wait3A_102 = tpu.memref_slice %arg14[%add3A_92, %dma_wait3A_101] : memref<256x64xf32, #tpu.memory_space<vmem>> -> memref<1x64xf32, #tpu.memory_space<vmem>>
      %dma_wait3A_103 = tpu.memref_squeeze %dma_wait3A_102 : memref<1x64xf32, #tpu.memory_space<vmem>> -> memref<64xf32, #tpu.memory_space<vmem>>
      tpu.wait_dma2 semaphore(%arg19 : memref<!tpu.dma_semaphore, #tpu.memory_space<semaphore_mem>>) src(%arg7 : memref<64xf32, #tpu.memory_space<hbm>>) dst(%dma_wait3A_103 : memref<64xf32, #tpu.memory_space<vmem>>)
      %dma_wait3A_104 = arith.constant 0 : i32
      %dma_wait3A_105 = tpu.memref_slice %arg15[%add3A_92, %dma_wait3A_104] : memref<256x64xf32, #tpu.memory_space<vmem>> -> memref<1x64xf32, #tpu.memory_space<vmem>>
      %dma_wait3A_106 = tpu.memref_squeeze %dma_wait3A_105 : memref<1x64xf32, #tpu.memory_space<vmem>> -> memref<64xf32, #tpu.memory_space<vmem>>
      %dma_wait3A_107 = arith.constant 0 : i32
      %dma_wait3A_108 = tpu.memref_slice %arg15[%add3A_92, %dma_wait3A_107] : memref<256x64xf32, #tpu.memory_space<vmem>> -> memref<1x64xf32, #tpu.memory_space<vmem>>
      %dma_wait3A_109 = tpu.memref_squeeze %dma_wait3A_108 : memref<1x64xf32, #tpu.memory_space<vmem>> -> memref<64xf32, #tpu.memory_space<vmem>>
      tpu.wait_dma2 semaphore(%arg20 : memref<!tpu.dma_semaphore, #tpu.memory_space<semaphore_mem>>) src(%arg7 : memref<64xf32, #tpu.memory_space<hbm>>) dst(%dma_wait3A_109 : memref<64xf32, #tpu.memory_space<vmem>>)
    }
    %scan3A_25 = arith.constant 128 : i32
    %scan3A_26 = arith.constant 0 : i32
    %scan3A_27 = arith.constant 0 : i32
    %scan3A_28 = arith.constant 128 : i32
    %scan3A_29 = arith.addi %scan3A_27, %scan3A_28 : i32
    %scan3A_30 = arith.constant 1 : i32
    scf.for %scan3A_90 = %scan3A_27 to %scan3A_29 step %scan3A_30  : i32 {
      %add3A_91 = arith.constant 0 : i32
      %add3A_92 = arith.addi %add3A_91, %scan3A_90 : i32
      %get3A = arith.index_cast %add3A_92 : i32 to index
      %get3A_93 = arith.constant 0 : index
      %get3A_94 = tpu.vector_load %arg13[%get3A, %get3A_93] {strides = array<i32>} : memref<256x64xf32, #tpu.memory_space<vmem>>, vector<16xf32>,
      %get3A_95 = arith.index_cast %add3A_92 : i32 to index
      %get3A_96 = arith.constant 16 : index
      %get3A_97 = tpu.vector_load %arg13[%get3A_95, %get3A_96] {strides = array<i32>} : memref<256x64xf32, #tpu.memory_space<vmem>>, vector<16xf32>,
      %get3A_98 = arith.index_cast %add3A_92 : i32 to index
      %get3A_99 = arith.constant 32 : index
      %get3A_100 = tpu.vector_load %arg13[%get3A_98, %get3A_99] {strides = array<i32>} : memref<256x64xf32, #tpu.memory_space<vmem>>, vector<16xf32>,
      %get3A_101 = arith.index_cast %add3A_92 : i32 to index
      %get3A_102 = arith.constant 48 : index
      %get3A_103 = tpu.vector_load %arg13[%get3A_101, %get3A_102] {strides = array<i32>} : memref<256x64xf32, #tpu.memory_space<vmem>>, vector<16xf32>,
      %get3A_104 = arith.index_cast %add3A_92 : i32 to index
      %get3A_105 = arith.constant 0 : index
      %get3A_106 = tpu.vector_load %arg14[%get3A_104, %get3A_105] {strides = array<i32>} : memref<256x64xf32, #tpu.memory_space<vmem>>, vector<16xf32>,
      %get3A_107 = arith.index_cast %add3A_92 : i32 to index
      %get3A_108 = arith.constant 16 : index
      %get3A_109 = tpu.vector_load %arg14[%get3A_107, %get3A_108] {strides = array<i32>} : memref<256x64xf32, #tpu.memory_space<vmem>>, vector<16xf32>,
      %get3A_110 = arith.index_cast %add3A_92 : i32 to index
      %get3A_111 = arith.constant 32 : index
      %get3A_112 = tpu.vector_load %arg14[%get3A_110, %get3A_111] {strides = array<i32>} : memref<256x64xf32, #tpu.memory_space<vmem>>, vector<16xf32>,
      %get3A_113 = arith.index_cast %add3A_92 : i32 to index
      %get3A_114 = arith.constant 48 : index
      %get3A_115 = tpu.vector_load %arg14[%get3A_113, %get3A_114] {strides = array<i32>} : memref<256x64xf32, #tpu.memory_space<vmem>>, vector<16xf32>,
      %get3A_116 = arith.index_cast %add3A_92 : i32 to index
      %get3A_117 = arith.constant 0 : index
      %get3A_118 = tpu.vector_load %arg15[%get3A_116, %get3A_117] {strides = array<i32>} : memref<256x64xf32, #tpu.memory_space<vmem>>, vector<16xf32>,
      %get3A_119 = arith.index_cast %add3A_92 : i32 to index
      %get3A_120 = arith.constant 16 : index
      %get3A_121 = tpu.vector_load %arg15[%get3A_119, %get3A_120] {strides = array<i32>} : memref<256x64xf32, #tpu.memory_space<vmem>>, vector<16xf32>,
      %get3A_122 = arith.index_cast %add3A_92 : i32 to index
      %get3A_123 = arith.constant 32 : index
      %get3A_124 = tpu.vector_load %arg15[%get3A_122, %get3A_123] {strides = array<i32>} : memref<256x64xf32, #tpu.memory_space<vmem>>, vector<16xf32>,
      %get3A_125 = arith.index_cast %add3A_92 : i32 to index
      %get3A_126 = arith.constant 48 : index
      %get3A_127 = tpu.vector_load %arg15[%get3A_125, %get3A_126] {strides = array<i32>} : memref<256x64xf32, #tpu.memory_space<vmem>>, vector<16xf32>,
      %mul3A_128 = arith.mulf %get3A_94, %get3A_106 : vector<16xf32>
      %mul3A_129 = arith.mulf %get3A_97, %get3A_109 : vector<16xf32>
      %add3A_130 = arith.addf %mul3A_128, %mul3A_129 : vector<16xf32>
      %mul3A_131 = arith.mulf %get3A_100, %get3A_112 : vector<16xf32>
      %add3A_132 = arith.addf %add3A_130, %mul3A_131 : vector<16xf32>
      %mul3A_133 = arith.mulf %get3A_103, %get3A_115 : vector<16xf32>
      %add3A_134 = arith.addf %add3A_132, %mul3A_133 : vector<16xf32>
      %mul3A_135 = arith.mulf %get3A_94, %get3A_118 : vector<16xf32>
      %mul3A_136 = arith.mulf %get3A_97, %get3A_121 : vector<16xf32>
      %add3A_137 = arith.addf %mul3A_135, %mul3A_136 : vector<16xf32>
      %mul3A_138 = arith.mulf %get3A_100, %get3A_124 : vector<16xf32>
      %add3A_139 = arith.addf %add3A_137, %mul3A_138 : vector<16xf32>
      %mul3A_140 = arith.mulf %get3A_103, %get3A_127 : vector<16xf32>
      %add3A_141 = arith.addf %add3A_139, %mul3A_140 : vector<16xf32>
      %add3A_142 = arith.constant 0 : i32
      %add3A_143 = arith.addi %add3A_142, %scan3A_90 : i32
      %mul3A_144 = arith.constant 16 : i32
      %mul3A_145 = arith.muli %add3A_143, %mul3A_144 : i32
      %jit3A = arith.constant 128 : i32
      %div3A = arith.divsi %mul3A_145, %jit3A : i32
      %sign3A = arith.constant 0 : i32
      %sign3A_146 = arith.cmpi sgt, %mul3A_145, %sign3A : i32
      %sign3A_147 = arith.extui %sign3A_146 : i1 to i32
      %sign3A_148 = arith.constant 0 : i32
      %sign3A_149 = arith.cmpi slt, %mul3A_145, %sign3A_148 : i32
      %sign3A_150 = arith.extui %sign3A_149 : i1 to i32
      %sign3A_151 = arith.subi %sign3A_147, %sign3A_150 : i32
      %sign3A_152 = arith.constant 0 : i32
      %sign3A_153 = arith.cmpi sgt, %jit3A, %sign3A_152 : i32
      %sign3A_154 = arith.extui %sign3A_153 : i1 to i32
      %sign3A_155 = arith.constant 0 : i32
      %sign3A_156 = arith.cmpi slt, %jit3A, %sign3A_155 : i32
      %sign3A_157 = arith.extui %sign3A_156 : i1 to i32
      %sign3A_158 = arith.subi %sign3A_154, %sign3A_157 : i32
      %ne3A = arith.cmpi ne, %sign3A_151, %sign3A_158 : i32
      %rem3A = arith.remsi %mul3A_145, %jit3A : i32
      %ne3A_159 = arith.constant 0 : i32
      %ne3A_160 = arith.cmpi ne, %rem3A, %ne3A_159 : i32
      %and3A = arith.andi %ne3A, %ne3A_160 : i1
      %sub3A = arith.constant 1 : i32
      %sub3A_161 = arith.subi %div3A, %sub3A : i32
      %select_n3A = arith.select %and3A, %sub3A_161, %div3A : i32
      %jit3A_162 = arith.constant 128 : i32
      %eq3A = arith.constant 0 : i32
      %eq3A_163 = arith.cmpi eq, %jit3A_162, %eq3A : i32
      %jit3A_164 = arith.constant 1 : i32
      %select_n3A_165 = arith.select %eq3A_163, %jit3A_164, %jit3A_162 : i32
      %rem3A_166 = arith.remsi %mul3A_145, %select_n3A_165 : i32
      %ne3A_167 = arith.constant 0 : i32
      %ne3A_168 = arith.cmpi ne, %rem3A_166, %ne3A_167 : i32
      %lt3A = arith.constant 0 : i32
      %lt3A_169 = arith.cmpi slt, %rem3A_166, %lt3A : i32
      %lt3A_170 = arith.constant 0 : i32
      %lt3A_171 = arith.cmpi slt, %select_n3A_165, %lt3A_170 : i32
      %ne3A_172 = arith.xori %lt3A_169, %lt3A_171 : i1
      %and3A_173 = arith.andi %ne3A_172, %ne3A_168 : i1
      %add3A_174 = arith.addi %rem3A_166, %select_n3A_165 : i32
      %select_n3A_175 = arith.select %and3A_173, %add3A_174, %rem3A_166 : i32
      %swap3A = arith.index_cast %select_n3A : i32 to index
      %swap3A_176 = arith.index_cast %select_n3A_175 : i32 to index
      %swap3A_177 = tpu.vector_load %arg16[%swap3A, %swap3A_176] {strides = array<i32>} : memref<64x128xf32, #tpu.memory_space<vmem>>, vector<16xf32>,
      tpu.vector_store %arg16[%swap3A, %swap3A_176], %add3A_134 {strides = array<i32>} : memref<64x128xf32, #tpu.memory_space<vmem>>, vector<16xf32>,
      %swap3A_178 = arith.index_cast %select_n3A : i32 to index
      %swap3A_179 = arith.index_cast %select_n3A_175 : i32 to index
      %swap3A_180 = tpu.vector_load %arg17[%swap3A_178, %swap3A_179] {strides = array<i32>} : memref<64x128xf32, #tpu.memory_space<vmem>>, vector<16xf32>,
      tpu.vector_store %arg17[%swap3A_178, %swap3A_179], %add3A_141 {strides = array<i32>} : memref<64x128xf32, #tpu.memory_space<vmem>>, vector<16xf32>,
    }
    %scan3A_31 = arith.constant 128 : i32
    %mul3A_32 = arith.constant 4 : i32
    %mul3A_33 = arith.muli %add3A, %mul3A_32 : i32
    %add3A_34 = arith.constant 2 : i32
    %add3A_35 = arith.addi %mul3A_33, %add3A_34 : i32
    "tpu.region"() ({
      %run_scoped3A = tpu.sem_alloc : memref<!tpu.dma_semaphore, #tpu.memory_space<semaphore_mem>>
      %dma_start3A = arith.constant 0 : i32
      %dma_start3A_90 = tpu.memref_slice %arg10[%dma_start3A] : memref<256xi32, #tpu.memory_space<vmem>> -> memref<128xi32, #tpu.memory_space<vmem>>
      %dma_start3A_91 = arith.constant 0 : i32
      %dma_start3A_92 = tpu.memref_slice %arg2[%add3A_35, %dma_start3A_91] : memref<128x128xi32, #tpu.memory_space<hbm>> -> memref<1x128xi32, #tpu.memory_space<hbm>>
      %dma_start3A_93 = tpu.memref_squeeze %dma_start3A_92 : memref<1x128xi32, #tpu.memory_space<hbm>> -> memref<128xi32, #tpu.memory_space<hbm>>
      %dma_start3A_94 = arith.constant 0 : i32
      %dma_start3A_95 = tpu.memref_slice %arg10[%dma_start3A_94] : memref<256xi32, #tpu.memory_space<vmem>> -> memref<128xi32, #tpu.memory_space<vmem>>
      %dma_start3A_96 = arith.constant 0 : i32
      %dma_start3A_97 = tpu.memref_slice %arg2[%add3A_35, %dma_start3A_96] : memref<128x128xi32, #tpu.memory_space<hbm>> -> memref<1x128xi32, #tpu.memory_space<hbm>>
      %dma_start3A_98 = tpu.memref_squeeze %dma_start3A_97 : memref<1x128xi32, #tpu.memory_space<hbm>> -> memref<128xi32, #tpu.memory_space<hbm>>
      tpu.enqueue_dma source(%dma_start3A_98 : memref<128xi32, #tpu.memory_space<hbm>>) target(%dma_start3A_95 : memref<128xi32, #tpu.memory_space<vmem>>) target_semaphore(%run_scoped3A : memref<!tpu.dma_semaphore, #tpu.memory_space<semaphore_mem>>)
      %dma_wait3A = arith.constant 0 : i32
      %dma_wait3A_99 = tpu.memref_slice %arg10[%dma_wait3A] : memref<256xi32, #tpu.memory_space<vmem>> -> memref<128xi32, #tpu.memory_space<vmem>>
      %dma_wait3A_100 = arith.constant 0 : i32
      %dma_wait3A_101 = tpu.memref_slice %arg2[%add3A_35, %dma_wait3A_100] : memref<128x128xi32, #tpu.memory_space<hbm>> -> memref<1x128xi32, #tpu.memory_space<hbm>>
      %dma_wait3A_102 = tpu.memref_squeeze %dma_wait3A_101 : memref<1x128xi32, #tpu.memory_space<hbm>> -> memref<128xi32, #tpu.memory_space<hbm>>
      %dma_wait3A_103 = arith.constant 0 : i32
      %dma_wait3A_104 = tpu.memref_slice %arg10[%dma_wait3A_103] : memref<256xi32, #tpu.memory_space<vmem>> -> memref<128xi32, #tpu.memory_space<vmem>>
      %dma_wait3A_105 = arith.constant 0 : i32
      %dma_wait3A_106 = tpu.memref_slice %arg2[%add3A_35, %dma_wait3A_105] : memref<128x128xi32, #tpu.memory_space<hbm>> -> memref<1x128xi32, #tpu.memory_space<hbm>>
      %dma_wait3A_107 = tpu.memref_squeeze %dma_wait3A_106 : memref<1x128xi32, #tpu.memory_space<hbm>> -> memref<128xi32, #tpu.memory_space<hbm>>
      tpu.wait_dma2 semaphore(%run_scoped3A : memref<!tpu.dma_semaphore, #tpu.memory_space<semaphore_mem>>) src(%dma_wait3A_107 : memref<128xi32, #tpu.memory_space<hbm>>) dst(%dma_wait3A_104 : memref<128xi32, #tpu.memory_space<vmem>>)
      tpu.yield
    }) : () -> ()
    "tpu.region"() ({
      %run_scoped3A = tpu.sem_alloc : memref<!tpu.dma_semaphore, #tpu.memory_space<semaphore_mem>>
      %dma_start3A = arith.constant 0 : i32
      %dma_start3A_90 = tpu.memref_slice %arg11[%dma_start3A] : memref<256xi32, #tpu.memory_space<vmem>> -> memref<128xi32, #tpu.memory_space<vmem>>
      %dma_start3A_91 = arith.constant 0 : i32
      %dma_start3A_92 = tpu.memref_slice %arg3[%add3A_35, %dma_start3A_91] : memref<128x128xi32, #tpu.memory_space<hbm>> -> memref<1x128xi32, #tpu.memory_space<hbm>>
      %dma_start3A_93 = tpu.memref_squeeze %dma_start3A_92 : memref<1x128xi32, #tpu.memory_space<hbm>> -> memref<128xi32, #tpu.memory_space<hbm>>
      %dma_start3A_94 = arith.constant 0 : i32
      %dma_start3A_95 = tpu.memref_slice %arg11[%dma_start3A_94] : memref<256xi32, #tpu.memory_space<vmem>> -> memref<128xi32, #tpu.memory_space<vmem>>
      %dma_start3A_96 = arith.constant 0 : i32
      %dma_start3A_97 = tpu.memref_slice %arg3[%add3A_35, %dma_start3A_96] : memref<128x128xi32, #tpu.memory_space<hbm>> -> memref<1x128xi32, #tpu.memory_space<hbm>>
      %dma_start3A_98 = tpu.memref_squeeze %dma_start3A_97 : memref<1x128xi32, #tpu.memory_space<hbm>> -> memref<128xi32, #tpu.memory_space<hbm>>
      tpu.enqueue_dma source(%dma_start3A_98 : memref<128xi32, #tpu.memory_space<hbm>>) target(%dma_start3A_95 : memref<128xi32, #tpu.memory_space<vmem>>) target_semaphore(%run_scoped3A : memref<!tpu.dma_semaphore, #tpu.memory_space<semaphore_mem>>)
      %dma_wait3A = arith.constant 0 : i32
      %dma_wait3A_99 = tpu.memref_slice %arg11[%dma_wait3A] : memref<256xi32, #tpu.memory_space<vmem>> -> memref<128xi32, #tpu.memory_space<vmem>>
      %dma_wait3A_100 = arith.constant 0 : i32
      %dma_wait3A_101 = tpu.memref_slice %arg3[%add3A_35, %dma_wait3A_100] : memref<128x128xi32, #tpu.memory_space<hbm>> -> memref<1x128xi32, #tpu.memory_space<hbm>>
      %dma_wait3A_102 = tpu.memref_squeeze %dma_wait3A_101 : memref<1x128xi32, #tpu.memory_space<hbm>> -> memref<128xi32, #tpu.memory_space<hbm>>
      %dma_wait3A_103 = arith.constant 0 : i32
      %dma_wait3A_104 = tpu.memref_slice %arg11[%dma_wait3A_103] : memref<256xi32, #tpu.memory_space<vmem>> -> memref<128xi32, #tpu.memory_space<vmem>>
      %dma_wait3A_105 = arith.constant 0 : i32
      %dma_wait3A_106 = tpu.memref_slice %arg3[%add3A_35, %dma_wait3A_105] : memref<128x128xi32, #tpu.memory_space<hbm>> -> memref<1x128xi32, #tpu.memory_space<hbm>>
      %dma_wait3A_107 = tpu.memref_squeeze %dma_wait3A_106 : memref<1x128xi32, #tpu.memory_space<hbm>> -> memref<128xi32, #tpu.memory_space<hbm>>
      tpu.wait_dma2 semaphore(%run_scoped3A : memref<!tpu.dma_semaphore, #tpu.memory_space<semaphore_mem>>) src(%dma_wait3A_107 : memref<128xi32, #tpu.memory_space<hbm>>) dst(%dma_wait3A_104 : memref<128xi32, #tpu.memory_space<vmem>>)
      tpu.yield
    }) : () -> ()
    "tpu.region"() ({
      %run_scoped3A = tpu.sem_alloc : memref<!tpu.dma_semaphore, #tpu.memory_space<semaphore_mem>>
      %dma_start3A = arith.constant 0 : i32
      %dma_start3A_90 = tpu.memref_slice %arg12[%dma_start3A] : memref<256xi32, #tpu.memory_space<vmem>> -> memref<128xi32, #tpu.memory_space<vmem>>
      %dma_start3A_91 = arith.constant 0 : i32
      %dma_start3A_92 = tpu.memref_slice %arg4[%add3A_35, %dma_start3A_91] : memref<128x128xi32, #tpu.memory_space<hbm>> -> memref<1x128xi32, #tpu.memory_space<hbm>>
      %dma_start3A_93 = tpu.memref_squeeze %dma_start3A_92 : memref<1x128xi32, #tpu.memory_space<hbm>> -> memref<128xi32, #tpu.memory_space<hbm>>
      %dma_start3A_94 = arith.constant 0 : i32
      %dma_start3A_95 = tpu.memref_slice %arg12[%dma_start3A_94] : memref<256xi32, #tpu.memory_space<vmem>> -> memref<128xi32, #tpu.memory_space<vmem>>
      %dma_start3A_96 = arith.constant 0 : i32
      %dma_start3A_97 = tpu.memref_slice %arg4[%add3A_35, %dma_start3A_96] : memref<128x128xi32, #tpu.memory_space<hbm>> -> memref<1x128xi32, #tpu.memory_space<hbm>>
      %dma_start3A_98 = tpu.memref_squeeze %dma_start3A_97 : memref<1x128xi32, #tpu.memory_space<hbm>> -> memref<128xi32, #tpu.memory_space<hbm>>
      tpu.enqueue_dma source(%dma_start3A_98 : memref<128xi32, #tpu.memory_space<hbm>>) target(%dma_start3A_95 : memref<128xi32, #tpu.memory_space<vmem>>) target_semaphore(%run_scoped3A : memref<!tpu.dma_semaphore, #tpu.memory_space<semaphore_mem>>)
      %dma_wait3A = arith.constant 0 : i32
      %dma_wait3A_99 = tpu.memref_slice %arg12[%dma_wait3A] : memref<256xi32, #tpu.memory_space<vmem>> -> memref<128xi32, #tpu.memory_space<vmem>>
      %dma_wait3A_100 = arith.constant 0 : i32
      %dma_wait3A_101 = tpu.memref_slice %arg4[%add3A_35, %dma_wait3A_100] : memref<128x128xi32, #tpu.memory_space<hbm>> -> memref<1x128xi32, #tpu.memory_space<hbm>>
      %dma_wait3A_102 = tpu.memref_squeeze %dma_wait3A_101 : memref<1x128xi32, #tpu.memory_space<hbm>> -> memref<128xi32, #tpu.memory_space<hbm>>
      %dma_wait3A_103 = arith.constant 0 : i32
      %dma_wait3A_104 = tpu.memref_slice %arg12[%dma_wait3A_103] : memref<256xi32, #tpu.memory_space<vmem>> -> memref<128xi32, #tpu.memory_space<vmem>>
      %dma_wait3A_105 = arith.constant 0 : i32
      %dma_wait3A_106 = tpu.memref_slice %arg4[%add3A_35, %dma_wait3A_105] : memref<128x128xi32, #tpu.memory_space<hbm>> -> memref<1x128xi32, #tpu.memory_space<hbm>>
      %dma_wait3A_107 = tpu.memref_squeeze %dma_wait3A_106 : memref<1x128xi32, #tpu.memory_space<hbm>> -> memref<128xi32, #tpu.memory_space<hbm>>
      tpu.wait_dma2 semaphore(%run_scoped3A : memref<!tpu.dma_semaphore, #tpu.memory_space<semaphore_mem>>) src(%dma_wait3A_107 : memref<128xi32, #tpu.memory_space<hbm>>) dst(%dma_wait3A_104 : memref<128xi32, #tpu.memory_space<vmem>>)
      tpu.yield
    }) : () -> ()
    %scan3A_36 = arith.constant 0 : i32
    %scan3A_37 = arith.constant 0 : i32
    %scan3A_38 = arith.constant 128 : i32
    %scan3A_39 = arith.addi %scan3A_37, %scan3A_38 : i32
    %scan3A_40 = arith.constant 1 : i32
    scf.for %scan3A_90 = %scan3A_37 to %scan3A_39 step %scan3A_40  : i32 {
      %add3A_91 = arith.constant 0 : i32
      %add3A_92 = arith.addi %add3A_91, %scan3A_90 : i32
      %broadcast_in_dim3A = vector.broadcast %add3A_92 : i32 to vector<16xi32>
      %gather3A = tpu.vector_load_idx %arg10[%broadcast_in_dim3A] : memref<256xi32, #tpu.memory_space<vmem>>[vector<16xi32>], vector<16xi32>,
      %reduce_max3A = arith.constant true
      %reduce_max3A_93 = vector.broadcast %reduce_max3A : i1 to vector<16xi1>
      %reduce_max3A_94 = arith.constant -2147483648 : i32
      %reduce_max3A_95 = vector.broadcast %reduce_max3A_94 : i32 to vector<16xi32>
      %reduce_max3A_96 = arith.xori %gather3A, %reduce_max3A_95 : vector<16xi32>
      %reduce_max3A_97 = tpu.scan <max>, %reduce_max3A_96 masked %reduce_max3A_93 : vector<16xi32>, vector<16xi1> -> vector<16xi32>
      %reduce_max3A_98 = arith.xori %reduce_max3A_97, %reduce_max3A_95 : vector<16xi32>
      %reduce_max3A_99 = vector.extract %reduce_max3A_98[15] : i32 from vector<16xi32>
      %broadcast_in_dim3A_100 = vector.broadcast %add3A_92 : i32 to vector<16xi32>
      %gather3A_101 = tpu.vector_load_idx %arg11[%broadcast_in_dim3A_100] : memref<256xi32, #tpu.memory_space<vmem>>[vector<16xi32>], vector<16xi32>,
      %reduce_max3A_102 = arith.constant true
      %reduce_max3A_103 = vector.broadcast %reduce_max3A_102 : i1 to vector<16xi1>
      %reduce_max3A_104 = arith.constant -2147483648 : i32
      %reduce_max3A_105 = vector.broadcast %reduce_max3A_104 : i32 to vector<16xi32>
      %reduce_max3A_106 = arith.xori %gather3A_101, %reduce_max3A_105 : vector<16xi32>
      %reduce_max3A_107 = tpu.scan <max>, %reduce_max3A_106 masked %reduce_max3A_103 : vector<16xi32>, vector<16xi1> -> vector<16xi32>
      %reduce_max3A_108 = arith.xori %reduce_max3A_107, %reduce_max3A_105 : vector<16xi32>
      %reduce_max3A_109 = vector.extract %reduce_max3A_108[15] : i32 from vector<16xi32>
      %broadcast_in_dim3A_110 = vector.broadcast %add3A_92 : i32 to vector<16xi32>
      %gather3A_111 = tpu.vector_load_idx %arg12[%broadcast_in_dim3A_110] : memref<256xi32, #tpu.memory_space<vmem>>[vector<16xi32>], vector<16xi32>,
      %reduce_max3A_112 = arith.constant true
      %reduce_max3A_113 = vector.broadcast %reduce_max3A_112 : i1 to vector<16xi1>
      %reduce_max3A_114 = arith.constant -2147483648 : i32
      %reduce_max3A_115 = vector.broadcast %reduce_max3A_114 : i32 to vector<16xi32>
      %reduce_max3A_116 = arith.xori %gather3A_111, %reduce_max3A_115 : vector<16xi32>
      %reduce_max3A_117 = tpu.scan <max>, %reduce_max3A_116 masked %reduce_max3A_113 : vector<16xi32>, vector<16xi1> -> vector<16xi32>
      %reduce_max3A_118 = arith.xori %reduce_max3A_117, %reduce_max3A_115 : vector<16xi32>
      %reduce_max3A_119 = vector.extract %reduce_max3A_118[15] : i32 from vector<16xi32>
      %dma_start3A = arith.constant 0 : i32
      %dma_start3A_120 = tpu.memref_slice %arg13[%add3A_92, %dma_start3A] : memref<256x64xf32, #tpu.memory_space<vmem>> -> memref<1x64xf32, #tpu.memory_space<vmem>>
      %dma_start3A_121 = tpu.memref_squeeze %dma_start3A_120 : memref<1x64xf32, #tpu.memory_space<vmem>> -> memref<64xf32, #tpu.memory_space<vmem>>
      %dma_start3A_122 = arith.constant 0 : i32
      %dma_start3A_123 = tpu.memref_slice %arg5[%reduce_max3A_99, %dma_start3A_122] : memref<1000000x64xf32, #tpu.memory_space<hbm>> -> memref<1x64xf32, #tpu.memory_space<hbm>>
      %dma_start3A_124 = tpu.memref_squeeze %dma_start3A_123 : memref<1x64xf32, #tpu.memory_space<hbm>> -> memref<64xf32, #tpu.memory_space<hbm>>
      %dma_start3A_125 = arith.constant 0 : i32
      %dma_start3A_126 = tpu.memref_slice %arg13[%add3A_92, %dma_start3A_125] : memref<256x64xf32, #tpu.memory_space<vmem>> -> memref<1x64xf32, #tpu.memory_space<vmem>>
      %dma_start3A_127 = tpu.memref_squeeze %dma_start3A_126 : memref<1x64xf32, #tpu.memory_space<vmem>> -> memref<64xf32, #tpu.memory_space<vmem>>
      %dma_start3A_128 = arith.constant 0 : i32
      %dma_start3A_129 = tpu.memref_slice %arg5[%reduce_max3A_99, %dma_start3A_128] : memref<1000000x64xf32, #tpu.memory_space<hbm>> -> memref<1x64xf32, #tpu.memory_space<hbm>>
      %dma_start3A_130 = tpu.memref_squeeze %dma_start3A_129 : memref<1x64xf32, #tpu.memory_space<hbm>> -> memref<64xf32, #tpu.memory_space<hbm>>
      tpu.enqueue_dma source(%dma_start3A_130 : memref<64xf32, #tpu.memory_space<hbm>>) target(%dma_start3A_127 : memref<64xf32, #tpu.memory_space<vmem>>) target_semaphore(%arg18 : memref<!tpu.dma_semaphore, #tpu.memory_space<semaphore_mem>>)
      %dma_start3A_131 = arith.constant 0 : i32
      %dma_start3A_132 = tpu.memref_slice %arg14[%add3A_92, %dma_start3A_131] : memref<256x64xf32, #tpu.memory_space<vmem>> -> memref<1x64xf32, #tpu.memory_space<vmem>>
      %dma_start3A_133 = tpu.memref_squeeze %dma_start3A_132 : memref<1x64xf32, #tpu.memory_space<vmem>> -> memref<64xf32, #tpu.memory_space<vmem>>
      %dma_start3A_134 = arith.constant 0 : i32
      %dma_start3A_135 = tpu.memref_slice %arg6[%reduce_max3A_109, %dma_start3A_134] : memref<1000000x64xf32, #tpu.memory_space<hbm>> -> memref<1x64xf32, #tpu.memory_space<hbm>>
      %dma_start3A_136 = tpu.memref_squeeze %dma_start3A_135 : memref<1x64xf32, #tpu.memory_space<hbm>> -> memref<64xf32, #tpu.memory_space<hbm>>
      %dma_start3A_137 = arith.constant 0 : i32
      %dma_start3A_138 = tpu.memref_slice %arg14[%add3A_92, %dma_start3A_137] : memref<256x64xf32, #tpu.memory_space<vmem>> -> memref<1x64xf32, #tpu.memory_space<vmem>>
      %dma_start3A_139 = tpu.memref_squeeze %dma_start3A_138 : memref<1x64xf32, #tpu.memory_space<vmem>> -> memref<64xf32, #tpu.memory_space<vmem>>
      %dma_start3A_140 = arith.constant 0 : i32
      %dma_start3A_141 = tpu.memref_slice %arg6[%reduce_max3A_109, %dma_start3A_140] : memref<1000000x64xf32, #tpu.memory_space<hbm>> -> memref<1x64xf32, #tpu.memory_space<hbm>>
      %dma_start3A_142 = tpu.memref_squeeze %dma_start3A_141 : memref<1x64xf32, #tpu.memory_space<hbm>> -> memref<64xf32, #tpu.memory_space<hbm>>
      tpu.enqueue_dma source(%dma_start3A_142 : memref<64xf32, #tpu.memory_space<hbm>>) target(%dma_start3A_139 : memref<64xf32, #tpu.memory_space<vmem>>) target_semaphore(%arg19 : memref<!tpu.dma_semaphore, #tpu.memory_space<semaphore_mem>>)
      %dma_start3A_143 = arith.constant 0 : i32
      %dma_start3A_144 = tpu.memref_slice %arg15[%add3A_92, %dma_start3A_143] : memref<256x64xf32, #tpu.memory_space<vmem>> -> memref<1x64xf32, #tpu.memory_space<vmem>>
      %dma_start3A_145 = tpu.memref_squeeze %dma_start3A_144 : memref<1x64xf32, #tpu.memory_space<vmem>> -> memref<64xf32, #tpu.memory_space<vmem>>
      %dma_start3A_146 = arith.constant 0 : i32
      %dma_start3A_147 = tpu.memref_slice %arg6[%reduce_max3A_119, %dma_start3A_146] : memref<1000000x64xf32, #tpu.memory_space<hbm>> -> memref<1x64xf32, #tpu.memory_space<hbm>>
      %dma_start3A_148 = tpu.memref_squeeze %dma_start3A_147 : memref<1x64xf32, #tpu.memory_space<hbm>> -> memref<64xf32, #tpu.memory_space<hbm>>
      %dma_start3A_149 = arith.constant 0 : i32
      %dma_start3A_150 = tpu.memref_slice %arg15[%add3A_92, %dma_start3A_149] : memref<256x64xf32, #tpu.memory_space<vmem>> -> memref<1x64xf32, #tpu.memory_space<vmem>>
      %dma_start3A_151 = tpu.memref_squeeze %dma_start3A_150 : memref<1x64xf32, #tpu.memory_space<vmem>> -> memref<64xf32, #tpu.memory_space<vmem>>
      %dma_start3A_152 = arith.constant 0 : i32
      %dma_start3A_153 = tpu.memref_slice %arg6[%reduce_max3A_119, %dma_start3A_152] : memref<1000000x64xf32, #tpu.memory_space<hbm>> -> memref<1x64xf32, #tpu.memory_space<hbm>>
      %dma_start3A_154 = tpu.memref_squeeze %dma_start3A_153 : memref<1x64xf32, #tpu.memory_space<hbm>> -> memref<64xf32, #tpu.memory_space<hbm>>
      tpu.enqueue_dma source(%dma_start3A_154 : memref<64xf32, #tpu.memory_space<hbm>>) target(%dma_start3A_151 : memref<64xf32, #tpu.memory_space<vmem>>) target_semaphore(%arg20 : memref<!tpu.dma_semaphore, #tpu.memory_space<semaphore_mem>>)
    }
    %scan3A_41 = arith.constant 128 : i32
    %scan3A_42 = arith.constant 0 : i32
    %scan3A_43 = arith.constant 0 : i32
    %scan3A_44 = arith.constant 128 : i32
    %scan3A_45 = arith.addi %scan3A_43, %scan3A_44 : i32
    %scan3A_46 = arith.constant 1 : i32
    scf.for %scan3A_90 = %scan3A_43 to %scan3A_45 step %scan3A_46  : i32 {
      %add3A_91 = arith.constant 128 : i32
      %add3A_92 = arith.addi %add3A_91, %scan3A_90 : i32
      %dma_wait3A = arith.constant 0 : i32
      %dma_wait3A_93 = tpu.memref_slice %arg13[%add3A_92, %dma_wait3A] : memref<256x64xf32, #tpu.memory_space<vmem>> -> memref<1x64xf32, #tpu.memory_space<vmem>>
      %dma_wait3A_94 = tpu.memref_squeeze %dma_wait3A_93 : memref<1x64xf32, #tpu.memory_space<vmem>> -> memref<64xf32, #tpu.memory_space<vmem>>
      %dma_wait3A_95 = arith.constant 0 : i32
      %dma_wait3A_96 = tpu.memref_slice %arg13[%add3A_92, %dma_wait3A_95] : memref<256x64xf32, #tpu.memory_space<vmem>> -> memref<1x64xf32, #tpu.memory_space<vmem>>
      %dma_wait3A_97 = tpu.memref_squeeze %dma_wait3A_96 : memref<1x64xf32, #tpu.memory_space<vmem>> -> memref<64xf32, #tpu.memory_space<vmem>>
      tpu.wait_dma2 semaphore(%arg21 : memref<!tpu.dma_semaphore, #tpu.memory_space<semaphore_mem>>) src(%arg7 : memref<64xf32, #tpu.memory_space<hbm>>) dst(%dma_wait3A_97 : memref<64xf32, #tpu.memory_space<vmem>>)
      %dma_wait3A_98 = arith.constant 0 : i32
      %dma_wait3A_99 = tpu.memref_slice %arg14[%add3A_92, %dma_wait3A_98] : memref<256x64xf32, #tpu.memory_space<vmem>> -> memref<1x64xf32, #tpu.memory_space<vmem>>
      %dma_wait3A_100 = tpu.memref_squeeze %dma_wait3A_99 : memref<1x64xf32, #tpu.memory_space<vmem>> -> memref<64xf32, #tpu.memory_space<vmem>>
      %dma_wait3A_101 = arith.constant 0 : i32
      %dma_wait3A_102 = tpu.memref_slice %arg14[%add3A_92, %dma_wait3A_101] : memref<256x64xf32, #tpu.memory_space<vmem>> -> memref<1x64xf32, #tpu.memory_space<vmem>>
      %dma_wait3A_103 = tpu.memref_squeeze %dma_wait3A_102 : memref<1x64xf32, #tpu.memory_space<vmem>> -> memref<64xf32, #tpu.memory_space<vmem>>
      tpu.wait_dma2 semaphore(%arg22 : memref<!tpu.dma_semaphore, #tpu.memory_space<semaphore_mem>>) src(%arg7 : memref<64xf32, #tpu.memory_space<hbm>>) dst(%dma_wait3A_103 : memref<64xf32, #tpu.memory_space<vmem>>)
      %dma_wait3A_104 = arith.constant 0 : i32
      %dma_wait3A_105 = tpu.memref_slice %arg15[%add3A_92, %dma_wait3A_104] : memref<256x64xf32, #tpu.memory_space<vmem>> -> memref<1x64xf32, #tpu.memory_space<vmem>>
      %dma_wait3A_106 = tpu.memref_squeeze %dma_wait3A_105 : memref<1x64xf32, #tpu.memory_space<vmem>> -> memref<64xf32, #tpu.memory_space<vmem>>
      %dma_wait3A_107 = arith.constant 0 : i32
      %dma_wait3A_108 = tpu.memref_slice %arg15[%add3A_92, %dma_wait3A_107] : memref<256x64xf32, #tpu.memory_space<vmem>> -> memref<1x64xf32, #tpu.memory_space<vmem>>
      %dma_wait3A_109 = tpu.memref_squeeze %dma_wait3A_108 : memref<1x64xf32, #tpu.memory_space<vmem>> -> memref<64xf32, #tpu.memory_space<vmem>>
      tpu.wait_dma2 semaphore(%arg23 : memref<!tpu.dma_semaphore, #tpu.memory_space<semaphore_mem>>) src(%arg7 : memref<64xf32, #tpu.memory_space<hbm>>) dst(%dma_wait3A_109 : memref<64xf32, #tpu.memory_space<vmem>>)
    }
    %scan3A_47 = arith.constant 128 : i32
    %scan3A_48 = arith.constant 0 : i32
    %scan3A_49 = arith.constant 0 : i32
    %scan3A_50 = arith.constant 128 : i32
    %scan3A_51 = arith.addi %scan3A_49, %scan3A_50 : i32
    %scan3A_52 = arith.constant 1 : i32
    scf.for %scan3A_90 = %scan3A_49 to %scan3A_51 step %scan3A_52  : i32 {
      %add3A_91 = arith.constant 128 : i32
      %add3A_92 = arith.addi %add3A_91, %scan3A_90 : i32
      %get3A = arith.index_cast %add3A_92 : i32 to index
      %get3A_93 = arith.constant 0 : index
      %get3A_94 = tpu.vector_load %arg13[%get3A, %get3A_93] {strides = array<i32>} : memref<256x64xf32, #tpu.memory_space<vmem>>, vector<16xf32>,
      %get3A_95 = arith.index_cast %add3A_92 : i32 to index
      %get3A_96 = arith.constant 16 : index
      %get3A_97 = tpu.vector_load %arg13[%get3A_95, %get3A_96] {strides = array<i32>} : memref<256x64xf32, #tpu.memory_space<vmem>>, vector<16xf32>,
      %get3A_98 = arith.index_cast %add3A_92 : i32 to index
      %get3A_99 = arith.constant 32 : index
      %get3A_100 = tpu.vector_load %arg13[%get3A_98, %get3A_99] {strides = array<i32>} : memref<256x64xf32, #tpu.memory_space<vmem>>, vector<16xf32>,
      %get3A_101 = arith.index_cast %add3A_92 : i32 to index
      %get3A_102 = arith.constant 48 : index
      %get3A_103 = tpu.vector_load %arg13[%get3A_101, %get3A_102] {strides = array<i32>} : memref<256x64xf32, #tpu.memory_space<vmem>>, vector<16xf32>,
      %get3A_104 = arith.index_cast %add3A_92 : i32 to index
      %get3A_105 = arith.constant 0 : index
      %get3A_106 = tpu.vector_load %arg14[%get3A_104, %get3A_105] {strides = array<i32>} : memref<256x64xf32, #tpu.memory_space<vmem>>, vector<16xf32>,
      %get3A_107 = arith.index_cast %add3A_92 : i32 to index
      %get3A_108 = arith.constant 16 : index
      %get3A_109 = tpu.vector_load %arg14[%get3A_107, %get3A_108] {strides = array<i32>} : memref<256x64xf32, #tpu.memory_space<vmem>>, vector<16xf32>,
      %get3A_110 = arith.index_cast %add3A_92 : i32 to index
      %get3A_111 = arith.constant 32 : index
      %get3A_112 = tpu.vector_load %arg14[%get3A_110, %get3A_111] {strides = array<i32>} : memref<256x64xf32, #tpu.memory_space<vmem>>, vector<16xf32>,
      %get3A_113 = arith.index_cast %add3A_92 : i32 to index
      %get3A_114 = arith.constant 48 : index
      %get3A_115 = tpu.vector_load %arg14[%get3A_113, %get3A_114] {strides = array<i32>} : memref<256x64xf32, #tpu.memory_space<vmem>>, vector<16xf32>,
      %get3A_116 = arith.index_cast %add3A_92 : i32 to index
      %get3A_117 = arith.constant 0 : index
      %get3A_118 = tpu.vector_load %arg15[%get3A_116, %get3A_117] {strides = array<i32>} : memref<256x64xf32, #tpu.memory_space<vmem>>, vector<16xf32>,
      %get3A_119 = arith.index_cast %add3A_92 : i32 to index
      %get3A_120 = arith.constant 16 : index
      %get3A_121 = tpu.vector_load %arg15[%get3A_119, %get3A_120] {strides = array<i32>} : memref<256x64xf32, #tpu.memory_space<vmem>>, vector<16xf32>,
      %get3A_122 = arith.index_cast %add3A_92 : i32 to index
      %get3A_123 = arith.constant 32 : index
      %get3A_124 = tpu.vector_load %arg15[%get3A_122, %get3A_123] {strides = array<i32>} : memref<256x64xf32, #tpu.memory_space<vmem>>, vector<16xf32>,
      %get3A_125 = arith.index_cast %add3A_92 : i32 to index
      %get3A_126 = arith.constant 48 : index
      %get3A_127 = tpu.vector_load %arg15[%get3A_125, %get3A_126] {strides = array<i32>} : memref<256x64xf32, #tpu.memory_space<vmem>>, vector<16xf32>,
      %mul3A_128 = arith.mulf %get3A_94, %get3A_106 : vector<16xf32>
      %mul3A_129 = arith.mulf %get3A_97, %get3A_109 : vector<16xf32>
      %add3A_130 = arith.addf %mul3A_128, %mul3A_129 : vector<16xf32>
      %mul3A_131 = arith.mulf %get3A_100, %get3A_112 : vector<16xf32>
      %add3A_132 = arith.addf %add3A_130, %mul3A_131 : vector<16xf32>
      %mul3A_133 = arith.mulf %get3A_103, %get3A_115 : vector<16xf32>
      %add3A_134 = arith.addf %add3A_132, %mul3A_133 : vector<16xf32>
      %mul3A_135 = arith.mulf %get3A_94, %get3A_118 : vector<16xf32>
      %mul3A_136 = arith.mulf %get3A_97, %get3A_121 : vector<16xf32>
      %add3A_137 = arith.addf %mul3A_135, %mul3A_136 : vector<16xf32>
      %mul3A_138 = arith.mulf %get3A_100, %get3A_124 : vector<16xf32>
      %add3A_139 = arith.addf %add3A_137, %mul3A_138 : vector<16xf32>
      %mul3A_140 = arith.mulf %get3A_103, %get3A_127 : vector<16xf32>
      %add3A_141 = arith.addf %add3A_139, %mul3A_140 : vector<16xf32>
      %add3A_142 = arith.constant 128 : i32
      %add3A_143 = arith.addi %add3A_142, %scan3A_90 : i32
      %mul3A_144 = arith.constant 16 : i32
      %mul3A_145 = arith.muli %add3A_143, %mul3A_144 : i32
      %jit3A = arith.constant 128 : i32
      %div3A = arith.divsi %mul3A_145, %jit3A : i32
      %sign3A = arith.constant 0 : i32
      %sign3A_146 = arith.cmpi sgt, %mul3A_145, %sign3A : i32
      %sign3A_147 = arith.extui %sign3A_146 : i1 to i32
      %sign3A_148 = arith.constant 0 : i32
      %sign3A_149 = arith.cmpi slt, %mul3A_145, %sign3A_148 : i32
      %sign3A_150 = arith.extui %sign3A_149 : i1 to i32
      %sign3A_151 = arith.subi %sign3A_147, %sign3A_150 : i32
      %sign3A_152 = arith.constant 0 : i32
      %sign3A_153 = arith.cmpi sgt, %jit3A, %sign3A_152 : i32
      %sign3A_154 = arith.extui %sign3A_153 : i1 to i32
      %sign3A_155 = arith.constant 0 : i32
      %sign3A_156 = arith.cmpi slt, %jit3A, %sign3A_155 : i32
      %sign3A_157 = arith.extui %sign3A_156 : i1 to i32
      %sign3A_158 = arith.subi %sign3A_154, %sign3A_157 : i32
      %ne3A = arith.cmpi ne, %sign3A_151, %sign3A_158 : i32
      %rem3A = arith.remsi %mul3A_145, %jit3A : i32
      %ne3A_159 = arith.constant 0 : i32
      %ne3A_160 = arith.cmpi ne, %rem3A, %ne3A_159 : i32
      %and3A = arith.andi %ne3A, %ne3A_160 : i1
      %sub3A = arith.constant 1 : i32
      %sub3A_161 = arith.subi %div3A, %sub3A : i32
      %select_n3A = arith.select %and3A, %sub3A_161, %div3A : i32
      %jit3A_162 = arith.constant 128 : i32
      %eq3A = arith.constant 0 : i32
      %eq3A_163 = arith.cmpi eq, %jit3A_162, %eq3A : i32
      %jit3A_164 = arith.constant 1 : i32
      %select_n3A_165 = arith.select %eq3A_163, %jit3A_164, %jit3A_162 : i32
      %rem3A_166 = arith.remsi %mul3A_145, %select_n3A_165 : i32
      %ne3A_167 = arith.constant 0 : i32
      %ne3A_168 = arith.cmpi ne, %rem3A_166, %ne3A_167 : i32
      %lt3A = arith.constant 0 : i32
      %lt3A_169 = arith.cmpi slt, %rem3A_166, %lt3A : i32
      %lt3A_170 = arith.constant 0 : i32
      %lt3A_171 = arith.cmpi slt, %select_n3A_165, %lt3A_170 : i32
      %ne3A_172 = arith.xori %lt3A_169, %lt3A_171 : i1
      %and3A_173 = arith.andi %ne3A_172, %ne3A_168 : i1
      %add3A_174 = arith.addi %rem3A_166, %select_n3A_165 : i32
      %select_n3A_175 = arith.select %and3A_173, %add3A_174, %rem3A_166 : i32
      %swap3A = arith.index_cast %select_n3A : i32 to index
      %swap3A_176 = arith.index_cast %select_n3A_175 : i32 to index
      %swap3A_177 = tpu.vector_load %arg16[%swap3A, %swap3A_176] {strides = array<i32>} : memref<64x128xf32, #tpu.memory_space<vmem>>, vector<16xf32>,
      tpu.vector_store %arg16[%swap3A, %swap3A_176], %add3A_134 {strides = array<i32>} : memref<64x128xf32, #tpu.memory_space<vmem>>, vector<16xf32>,
      %swap3A_178 = arith.index_cast %select_n3A : i32 to index
      %swap3A_179 = arith.index_cast %select_n3A_175 : i32 to index
      %swap3A_180 = tpu.vector_load %arg17[%swap3A_178, %swap3A_179] {strides = array<i32>} : memref<64x128xf32, #tpu.memory_space<vmem>>, vector<16xf32>,
      tpu.vector_store %arg17[%swap3A_178, %swap3A_179], %add3A_141 {strides = array<i32>} : memref<64x128xf32, #tpu.memory_space<vmem>>, vector<16xf32>,
    }
    %scan3A_53 = arith.constant 128 : i32
    %mul3A_54 = arith.constant 4 : i32
    %mul3A_55 = arith.muli %add3A, %mul3A_54 : i32
    %add3A_56 = arith.constant 3 : i32
    %add3A_57 = arith.addi %mul3A_55, %add3A_56 : i32
    "tpu.region"() ({
      %run_scoped3A = tpu.sem_alloc : memref<!tpu.dma_semaphore, #tpu.memory_space<semaphore_mem>>
      %dma_start3A = arith.constant 128 : i32
      %dma_start3A_90 = tpu.memref_slice %arg10[%dma_start3A] : memref<256xi32, #tpu.memory_space<vmem>> -> memref<128xi32, #tpu.memory_space<vmem>>
      %dma_start3A_91 = arith.constant 0 : i32
      %dma_start3A_92 = tpu.memref_slice %arg2[%add3A_57, %dma_start3A_91] : memref<128x128xi32, #tpu.memory_space<hbm>> -> memref<1x128xi32, #tpu.memory_space<hbm>>
      %dma_start3A_93 = tpu.memref_squeeze %dma_start3A_92 : memref<1x128xi32, #tpu.memory_space<hbm>> -> memref<128xi32, #tpu.memory_space<hbm>>
      %dma_start3A_94 = arith.constant 128 : i32
      %dma_start3A_95 = tpu.memref_slice %arg10[%dma_start3A_94] : memref<256xi32, #tpu.memory_space<vmem>> -> memref<128xi32, #tpu.memory_space<vmem>>
      %dma_start3A_96 = arith.constant 0 : i32
      %dma_start3A_97 = tpu.memref_slice %arg2[%add3A_57, %dma_start3A_96] : memref<128x128xi32, #tpu.memory_space<hbm>> -> memref<1x128xi32, #tpu.memory_space<hbm>>
      %dma_start3A_98 = tpu.memref_squeeze %dma_start3A_97 : memref<1x128xi32, #tpu.memory_space<hbm>> -> memref<128xi32, #tpu.memory_space<hbm>>
      tpu.enqueue_dma source(%dma_start3A_98 : memref<128xi32, #tpu.memory_space<hbm>>) target(%dma_start3A_95 : memref<128xi32, #tpu.memory_space<vmem>>) target_semaphore(%run_scoped3A : memref<!tpu.dma_semaphore, #tpu.memory_space<semaphore_mem>>)
      %dma_wait3A = arith.constant 128 : i32
      %dma_wait3A_99 = tpu.memref_slice %arg10[%dma_wait3A] : memref<256xi32, #tpu.memory_space<vmem>> -> memref<128xi32, #tpu.memory_space<vmem>>
      %dma_wait3A_100 = arith.constant 0 : i32
      %dma_wait3A_101 = tpu.memref_slice %arg2[%add3A_57, %dma_wait3A_100] : memref<128x128xi32, #tpu.memory_space<hbm>> -> memref<1x128xi32, #tpu.memory_space<hbm>>
      %dma_wait3A_102 = tpu.memref_squeeze %dma_wait3A_101 : memref<1x128xi32, #tpu.memory_space<hbm>> -> memref<128xi32, #tpu.memory_space<hbm>>
      %dma_wait3A_103 = arith.constant 128 : i32
      %dma_wait3A_104 = tpu.memref_slice %arg10[%dma_wait3A_103] : memref<256xi32, #tpu.memory_space<vmem>> -> memref<128xi32, #tpu.memory_space<vmem>>
      %dma_wait3A_105 = arith.constant 0 : i32
      %dma_wait3A_106 = tpu.memref_slice %arg2[%add3A_57, %dma_wait3A_105] : memref<128x128xi32, #tpu.memory_space<hbm>> -> memref<1x128xi32, #tpu.memory_space<hbm>>
      %dma_wait3A_107 = tpu.memref_squeeze %dma_wait3A_106 : memref<1x128xi32, #tpu.memory_space<hbm>> -> memref<128xi32, #tpu.memory_space<hbm>>
      tpu.wait_dma2 semaphore(%run_scoped3A : memref<!tpu.dma_semaphore, #tpu.memory_space<semaphore_mem>>) src(%dma_wait3A_107 : memref<128xi32, #tpu.memory_space<hbm>>) dst(%dma_wait3A_104 : memref<128xi32, #tpu.memory_space<vmem>>)
      tpu.yield
    }) : () -> ()
    "tpu.region"() ({
      %run_scoped3A = tpu.sem_alloc : memref<!tpu.dma_semaphore, #tpu.memory_space<semaphore_mem>>
      %dma_start3A = arith.constant 128 : i32
      %dma_start3A_90 = tpu.memref_slice %arg11[%dma_start3A] : memref<256xi32, #tpu.memory_space<vmem>> -> memref<128xi32, #tpu.memory_space<vmem>>
      %dma_start3A_91 = arith.constant 0 : i32
      %dma_start3A_92 = tpu.memref_slice %arg3[%add3A_57, %dma_start3A_91] : memref<128x128xi32, #tpu.memory_space<hbm>> -> memref<1x128xi32, #tpu.memory_space<hbm>>
      %dma_start3A_93 = tpu.memref_squeeze %dma_start3A_92 : memref<1x128xi32, #tpu.memory_space<hbm>> -> memref<128xi32, #tpu.memory_space<hbm>>
      %dma_start3A_94 = arith.constant 128 : i32
      %dma_start3A_95 = tpu.memref_slice %arg11[%dma_start3A_94] : memref<256xi32, #tpu.memory_space<vmem>> -> memref<128xi32, #tpu.memory_space<vmem>>
      %dma_start3A_96 = arith.constant 0 : i32
      %dma_start3A_97 = tpu.memref_slice %arg3[%add3A_57, %dma_start3A_96] : memref<128x128xi32, #tpu.memory_space<hbm>> -> memref<1x128xi32, #tpu.memory_space<hbm>>
      %dma_start3A_98 = tpu.memref_squeeze %dma_start3A_97 : memref<1x128xi32, #tpu.memory_space<hbm>> -> memref<128xi32, #tpu.memory_space<hbm>>
      tpu.enqueue_dma source(%dma_start3A_98 : memref<128xi32, #tpu.memory_space<hbm>>) target(%dma_start3A_95 : memref<128xi32, #tpu.memory_space<vmem>>) target_semaphore(%run_scoped3A : memref<!tpu.dma_semaphore, #tpu.memory_space<semaphore_mem>>)
      %dma_wait3A = arith.constant 128 : i32
      %dma_wait3A_99 = tpu.memref_slice %arg11[%dma_wait3A] : memref<256xi32, #tpu.memory_space<vmem>> -> memref<128xi32, #tpu.memory_space<vmem>>
      %dma_wait3A_100 = arith.constant 0 : i32
      %dma_wait3A_101 = tpu.memref_slice %arg3[%add3A_57, %dma_wait3A_100] : memref<128x128xi32, #tpu.memory_space<hbm>> -> memref<1x128xi32, #tpu.memory_space<hbm>>
      %dma_wait3A_102 = tpu.memref_squeeze %dma_wait3A_101 : memref<1x128xi32, #tpu.memory_space<hbm>> -> memref<128xi32, #tpu.memory_space<hbm>>
      %dma_wait3A_103 = arith.constant 128 : i32
      %dma_wait3A_104 = tpu.memref_slice %arg11[%dma_wait3A_103] : memref<256xi32, #tpu.memory_space<vmem>> -> memref<128xi32, #tpu.memory_space<vmem>>
      %dma_wait3A_105 = arith.constant 0 : i32
      %dma_wait3A_106 = tpu.memref_slice %arg3[%add3A_57, %dma_wait3A_105] : memref<128x128xi32, #tpu.memory_space<hbm>> -> memref<1x128xi32, #tpu.memory_space<hbm>>
      %dma_wait3A_107 = tpu.memref_squeeze %dma_wait3A_106 : memref<1x128xi32, #tpu.memory_space<hbm>> -> memref<128xi32, #tpu.memory_space<hbm>>
      tpu.wait_dma2 semaphore(%run_scoped3A : memref<!tpu.dma_semaphore, #tpu.memory_space<semaphore_mem>>) src(%dma_wait3A_107 : memref<128xi32, #tpu.memory_space<hbm>>) dst(%dma_wait3A_104 : memref<128xi32, #tpu.memory_space<vmem>>)
      tpu.yield
    }) : () -> ()
    "tpu.region"() ({
      %run_scoped3A = tpu.sem_alloc : memref<!tpu.dma_semaphore, #tpu.memory_space<semaphore_mem>>
      %dma_start3A = arith.constant 128 : i32
      %dma_start3A_90 = tpu.memref_slice %arg12[%dma_start3A] : memref<256xi32, #tpu.memory_space<vmem>> -> memref<128xi32, #tpu.memory_space<vmem>>
      %dma_start3A_91 = arith.constant 0 : i32
      %dma_start3A_92 = tpu.memref_slice %arg4[%add3A_57, %dma_start3A_91] : memref<128x128xi32, #tpu.memory_space<hbm>> -> memref<1x128xi32, #tpu.memory_space<hbm>>
      %dma_start3A_93 = tpu.memref_squeeze %dma_start3A_92 : memref<1x128xi32, #tpu.memory_space<hbm>> -> memref<128xi32, #tpu.memory_space<hbm>>
      %dma_start3A_94 = arith.constant 128 : i32
      %dma_start3A_95 = tpu.memref_slice %arg12[%dma_start3A_94] : memref<256xi32, #tpu.memory_space<vmem>> -> memref<128xi32, #tpu.memory_space<vmem>>
      %dma_start3A_96 = arith.constant 0 : i32
      %dma_start3A_97 = tpu.memref_slice %arg4[%add3A_57, %dma_start3A_96] : memref<128x128xi32, #tpu.memory_space<hbm>> -> memref<1x128xi32, #tpu.memory_space<hbm>>
      %dma_start3A_98 = tpu.memref_squeeze %dma_start3A_97 : memref<1x128xi32, #tpu.memory_space<hbm>> -> memref<128xi32, #tpu.memory_space<hbm>>
      tpu.enqueue_dma source(%dma_start3A_98 : memref<128xi32, #tpu.memory_space<hbm>>) target(%dma_start3A_95 : memref<128xi32, #tpu.memory_space<vmem>>) target_semaphore(%run_scoped3A : memref<!tpu.dma_semaphore, #tpu.memory_space<semaphore_mem>>)
      %dma_wait3A = arith.constant 128 : i32
      %dma_wait3A_99 = tpu.memref_slice %arg12[%dma_wait3A] : memref<256xi32, #tpu.memory_space<vmem>> -> memref<128xi32, #tpu.memory_space<vmem>>
      %dma_wait3A_100 = arith.constant 0 : i32
      %dma_wait3A_101 = tpu.memref_slice %arg4[%add3A_57, %dma_wait3A_100] : memref<128x128xi32, #tpu.memory_space<hbm>> -> memref<1x128xi32, #tpu.memory_space<hbm>>
      %dma_wait3A_102 = tpu.memref_squeeze %dma_wait3A_101 : memref<1x128xi32, #tpu.memory_space<hbm>> -> memref<128xi32, #tpu.memory_space<hbm>>
      %dma_wait3A_103 = arith.constant 128 : i32
      %dma_wait3A_104 = tpu.memref_slice %arg12[%dma_wait3A_103] : memref<256xi32, #tpu.memory_space<vmem>> -> memref<128xi32, #tpu.memory_space<vmem>>
      %dma_wait3A_105 = arith.constant 0 : i32
      %dma_wait3A_106 = tpu.memref_slice %arg4[%add3A_57, %dma_wait3A_105] : memref<128x128xi32, #tpu.memory_space<hbm>> -> memref<1x128xi32, #tpu.memory_space<hbm>>
      %dma_wait3A_107 = tpu.memref_squeeze %dma_wait3A_106 : memref<1x128xi32, #tpu.memory_space<hbm>> -> memref<128xi32, #tpu.memory_space<hbm>>
      tpu.wait_dma2 semaphore(%run_scoped3A : memref<!tpu.dma_semaphore, #tpu.memory_space<semaphore_mem>>) src(%dma_wait3A_107 : memref<128xi32, #tpu.memory_space<hbm>>) dst(%dma_wait3A_104 : memref<128xi32, #tpu.memory_space<vmem>>)
      tpu.yield
    }) : () -> ()
    %scan3A_58 = arith.constant 0 : i32
    %scan3A_59 = arith.constant 0 : i32
    %scan3A_60 = arith.constant 128 : i32
    %scan3A_61 = arith.addi %scan3A_59, %scan3A_60 : i32
    %scan3A_62 = arith.constant 1 : i32
    scf.for %scan3A_90 = %scan3A_59 to %scan3A_61 step %scan3A_62  : i32 {
      %add3A_91 = arith.constant 128 : i32
      %add3A_92 = arith.addi %add3A_91, %scan3A_90 : i32
      %broadcast_in_dim3A = vector.broadcast %add3A_92 : i32 to vector<16xi32>
      %gather3A = tpu.vector_load_idx %arg10[%broadcast_in_dim3A] : memref<256xi32, #tpu.memory_space<vmem>>[vector<16xi32>], vector<16xi32>,
      %reduce_max3A = arith.constant true
      %reduce_max3A_93 = vector.broadcast %reduce_max3A : i1 to vector<16xi1>
      %reduce_max3A_94 = arith.constant -2147483648 : i32
      %reduce_max3A_95 = vector.broadcast %reduce_max3A_94 : i32 to vector<16xi32>
      %reduce_max3A_96 = arith.xori %gather3A, %reduce_max3A_95 : vector<16xi32>
      %reduce_max3A_97 = tpu.scan <max>, %reduce_max3A_96 masked %reduce_max3A_93 : vector<16xi32>, vector<16xi1> -> vector<16xi32>
      %reduce_max3A_98 = arith.xori %reduce_max3A_97, %reduce_max3A_95 : vector<16xi32>
      %reduce_max3A_99 = vector.extract %reduce_max3A_98[15] : i32 from vector<16xi32>
      %broadcast_in_dim3A_100 = vector.broadcast %add3A_92 : i32 to vector<16xi32>
      %gather3A_101 = tpu.vector_load_idx %arg11[%broadcast_in_dim3A_100] : memref<256xi32, #tpu.memory_space<vmem>>[vector<16xi32>], vector<16xi32>,
      %reduce_max3A_102 = arith.constant true
      %reduce_max3A_103 = vector.broadcast %reduce_max3A_102 : i1 to vector<16xi1>
      %reduce_max3A_104 = arith.constant -2147483648 : i32
      %reduce_max3A_105 = vector.broadcast %reduce_max3A_104 : i32 to vector<16xi32>
      %reduce_max3A_106 = arith.xori %gather3A_101, %reduce_max3A_105 : vector<16xi32>
      %reduce_max3A_107 = tpu.scan <max>, %reduce_max3A_106 masked %reduce_max3A_103 : vector<16xi32>, vector<16xi1> -> vector<16xi32>
      %reduce_max3A_108 = arith.xori %reduce_max3A_107, %reduce_max3A_105 : vector<16xi32>
      %reduce_max3A_109 = vector.extract %reduce_max3A_108[15] : i32 from vector<16xi32>
      %broadcast_in_dim3A_110 = vector.broadcast %add3A_92 : i32 to vector<16xi32>
      %gather3A_111 = tpu.vector_load_idx %arg12[%broadcast_in_dim3A_110] : memref<256xi32, #tpu.memory_space<vmem>>[vector<16xi32>], vector<16xi32>,
      %reduce_max3A_112 = arith.constant true
      %reduce_max3A_113 = vector.broadcast %reduce_max3A_112 : i1 to vector<16xi1>
      %reduce_max3A_114 = arith.constant -2147483648 : i32
      %reduce_max3A_115 = vector.broadcast %reduce_max3A_114 : i32 to vector<16xi32>
      %reduce_max3A_116 = arith.xori %gather3A_111, %reduce_max3A_115 : vector<16xi32>
      %reduce_max3A_117 = tpu.scan <max>, %reduce_max3A_116 masked %reduce_max3A_113 : vector<16xi32>, vector<16xi1> -> vector<16xi32>
      %reduce_max3A_118 = arith.xori %reduce_max3A_117, %reduce_max3A_115 : vector<16xi32>
      %reduce_max3A_119 = vector.extract %reduce_max3A_118[15] : i32 from vector<16xi32>
      %dma_start3A = arith.constant 0 : i32
      %dma_start3A_120 = tpu.memref_slice %arg13[%add3A_92, %dma_start3A] : memref<256x64xf32, #tpu.memory_space<vmem>> -> memref<1x64xf32, #tpu.memory_space<vmem>>
      %dma_start3A_121 = tpu.memref_squeeze %dma_start3A_120 : memref<1x64xf32, #tpu.memory_space<vmem>> -> memref<64xf32, #tpu.memory_space<vmem>>
      %dma_start3A_122 = arith.constant 0 : i32
      %dma_start3A_123 = tpu.memref_slice %arg5[%reduce_max3A_99, %dma_start3A_122] : memref<1000000x64xf32, #tpu.memory_space<hbm>> -> memref<1x64xf32, #tpu.memory_space<hbm>>
      %dma_start3A_124 = tpu.memref_squeeze %dma_start3A_123 : memref<1x64xf32, #tpu.memory_space<hbm>> -> memref<64xf32, #tpu.memory_space<hbm>>
      %dma_start3A_125 = arith.constant 0 : i32
      %dma_start3A_126 = tpu.memref_slice %arg13[%add3A_92, %dma_start3A_125] : memref<256x64xf32, #tpu.memory_space<vmem>> -> memref<1x64xf32, #tpu.memory_space<vmem>>
      %dma_start3A_127 = tpu.memref_squeeze %dma_start3A_126 : memref<1x64xf32, #tpu.memory_space<vmem>> -> memref<64xf32, #tpu.memory_space<vmem>>
      %dma_start3A_128 = arith.constant 0 : i32
      %dma_start3A_129 = tpu.memref_slice %arg5[%reduce_max3A_99, %dma_start3A_128] : memref<1000000x64xf32, #tpu.memory_space<hbm>> -> memref<1x64xf32, #tpu.memory_space<hbm>>
      %dma_start3A_130 = tpu.memref_squeeze %dma_start3A_129 : memref<1x64xf32, #tpu.memory_space<hbm>> -> memref<64xf32, #tpu.memory_space<hbm>>
      tpu.enqueue_dma source(%dma_start3A_130 : memref<64xf32, #tpu.memory_space<hbm>>) target(%dma_start3A_127 : memref<64xf32, #tpu.memory_space<vmem>>) target_semaphore(%arg21 : memref<!tpu.dma_semaphore, #tpu.memory_space<semaphore_mem>>)
      %dma_start3A_131 = arith.constant 0 : i32
      %dma_start3A_132 = tpu.memref_slice %arg14[%add3A_92, %dma_start3A_131] : memref<256x64xf32, #tpu.memory_space<vmem>> -> memref<1x64xf32, #tpu.memory_space<vmem>>
      %dma_start3A_133 = tpu.memref_squeeze %dma_start3A_132 : memref<1x64xf32, #tpu.memory_space<vmem>> -> memref<64xf32, #tpu.memory_space<vmem>>
      %dma_start3A_134 = arith.constant 0 : i32
      %dma_start3A_135 = tpu.memref_slice %arg6[%reduce_max3A_109, %dma_start3A_134] : memref<1000000x64xf32, #tpu.memory_space<hbm>> -> memref<1x64xf32, #tpu.memory_space<hbm>>
      %dma_start3A_136 = tpu.memref_squeeze %dma_start3A_135 : memref<1x64xf32, #tpu.memory_space<hbm>> -> memref<64xf32, #tpu.memory_space<hbm>>
      %dma_start3A_137 = arith.constant 0 : i32
      %dma_start3A_138 = tpu.memref_slice %arg14[%add3A_92, %dma_start3A_137] : memref<256x64xf32, #tpu.memory_space<vmem>> -> memref<1x64xf32, #tpu.memory_space<vmem>>
      %dma_start3A_139 = tpu.memref_squeeze %dma_start3A_138 : memref<1x64xf32, #tpu.memory_space<vmem>> -> memref<64xf32, #tpu.memory_space<vmem>>
      %dma_start3A_140 = arith.constant 0 : i32
      %dma_start3A_141 = tpu.memref_slice %arg6[%reduce_max3A_109, %dma_start3A_140] : memref<1000000x64xf32, #tpu.memory_space<hbm>> -> memref<1x64xf32, #tpu.memory_space<hbm>>
      %dma_start3A_142 = tpu.memref_squeeze %dma_start3A_141 : memref<1x64xf32, #tpu.memory_space<hbm>> -> memref<64xf32, #tpu.memory_space<hbm>>
      tpu.enqueue_dma source(%dma_start3A_142 : memref<64xf32, #tpu.memory_space<hbm>>) target(%dma_start3A_139 : memref<64xf32, #tpu.memory_space<vmem>>) target_semaphore(%arg22 : memref<!tpu.dma_semaphore, #tpu.memory_space<semaphore_mem>>)
      %dma_start3A_143 = arith.constant 0 : i32
      %dma_start3A_144 = tpu.memref_slice %arg15[%add3A_92, %dma_start3A_143] : memref<256x64xf32, #tpu.memory_space<vmem>> -> memref<1x64xf32, #tpu.memory_space<vmem>>
      %dma_start3A_145 = tpu.memref_squeeze %dma_start3A_144 : memref<1x64xf32, #tpu.memory_space<vmem>> -> memref<64xf32, #tpu.memory_space<vmem>>
      %dma_start3A_146 = arith.constant 0 : i32
      %dma_start3A_147 = tpu.memref_slice %arg6[%reduce_max3A_119, %dma_start3A_146] : memref<1000000x64xf32, #tpu.memory_space<hbm>> -> memref<1x64xf32, #tpu.memory_space<hbm>>
      %dma_start3A_148 = tpu.memref_squeeze %dma_start3A_147 : memref<1x64xf32, #tpu.memory_space<hbm>> -> memref<64xf32, #tpu.memory_space<hbm>>
      %dma_start3A_149 = arith.constant 0 : i32
      %dma_start3A_150 = tpu.memref_slice %arg15[%add3A_92, %dma_start3A_149] : memref<256x64xf32, #tpu.memory_space<vmem>> -> memref<1x64xf32, #tpu.memory_space<vmem>>
      %dma_start3A_151 = tpu.memref_squeeze %dma_start3A_150 : memref<1x64xf32, #tpu.memory_space<vmem>> -> memref<64xf32, #tpu.memory_space<vmem>>
      %dma_start3A_152 = arith.constant 0 : i32
      %dma_start3A_153 = tpu.memref_slice %arg6[%reduce_max3A_119, %dma_start3A_152] : memref<1000000x64xf32, #tpu.memory_space<hbm>> -> memref<1x64xf32, #tpu.memory_space<hbm>>
      %dma_start3A_154 = tpu.memref_squeeze %dma_start3A_153 : memref<1x64xf32, #tpu.memory_space<hbm>> -> memref<64xf32, #tpu.memory_space<hbm>>
      tpu.enqueue_dma source(%dma_start3A_154 : memref<64xf32, #tpu.memory_space<hbm>>) target(%dma_start3A_151 : memref<64xf32, #tpu.memory_space<vmem>>) target_semaphore(%arg23 : memref<!tpu.dma_semaphore, #tpu.memory_space<semaphore_mem>>)
    }
    %scan3A_63 = arith.constant 128 : i32
    %scan3A_64 = arith.constant 0 : i32
    %scan3A_65 = arith.constant 0 : i32
    %scan3A_66 = arith.constant 128 : i32
    %scan3A_67 = arith.addi %scan3A_65, %scan3A_66 : i32
    %scan3A_68 = arith.constant 1 : i32
    scf.for %scan3A_90 = %scan3A_65 to %scan3A_67 step %scan3A_68  : i32 {
      %add3A_91 = arith.constant 0 : i32
      %add3A_92 = arith.addi %add3A_91, %scan3A_90 : i32
      %dma_wait3A = arith.constant 0 : i32
      %dma_wait3A_93 = tpu.memref_slice %arg13[%add3A_92, %dma_wait3A] : memref<256x64xf32, #tpu.memory_space<vmem>> -> memref<1x64xf32, #tpu.memory_space<vmem>>
      %dma_wait3A_94 = tpu.memref_squeeze %dma_wait3A_93 : memref<1x64xf32, #tpu.memory_space<vmem>> -> memref<64xf32, #tpu.memory_space<vmem>>
      %dma_wait3A_95 = arith.constant 0 : i32
      %dma_wait3A_96 = tpu.memref_slice %arg13[%add3A_92, %dma_wait3A_95] : memref<256x64xf32, #tpu.memory_space<vmem>> -> memref<1x64xf32, #tpu.memory_space<vmem>>
      %dma_wait3A_97 = tpu.memref_squeeze %dma_wait3A_96 : memref<1x64xf32, #tpu.memory_space<vmem>> -> memref<64xf32, #tpu.memory_space<vmem>>
      tpu.wait_dma2 semaphore(%arg18 : memref<!tpu.dma_semaphore, #tpu.memory_space<semaphore_mem>>) src(%arg7 : memref<64xf32, #tpu.memory_space<hbm>>) dst(%dma_wait3A_97 : memref<64xf32, #tpu.memory_space<vmem>>)
      %dma_wait3A_98 = arith.constant 0 : i32
      %dma_wait3A_99 = tpu.memref_slice %arg14[%add3A_92, %dma_wait3A_98] : memref<256x64xf32, #tpu.memory_space<vmem>> -> memref<1x64xf32, #tpu.memory_space<vmem>>
      %dma_wait3A_100 = tpu.memref_squeeze %dma_wait3A_99 : memref<1x64xf32, #tpu.memory_space<vmem>> -> memref<64xf32, #tpu.memory_space<vmem>>
      %dma_wait3A_101 = arith.constant 0 : i32
      %dma_wait3A_102 = tpu.memref_slice %arg14[%add3A_92, %dma_wait3A_101] : memref<256x64xf32, #tpu.memory_space<vmem>> -> memref<1x64xf32, #tpu.memory_space<vmem>>
      %dma_wait3A_103 = tpu.memref_squeeze %dma_wait3A_102 : memref<1x64xf32, #tpu.memory_space<vmem>> -> memref<64xf32, #tpu.memory_space<vmem>>
      tpu.wait_dma2 semaphore(%arg19 : memref<!tpu.dma_semaphore, #tpu.memory_space<semaphore_mem>>) src(%arg7 : memref<64xf32, #tpu.memory_space<hbm>>) dst(%dma_wait3A_103 : memref<64xf32, #tpu.memory_space<vmem>>)
      %dma_wait3A_104 = arith.constant 0 : i32
      %dma_wait3A_105 = tpu.memref_slice %arg15[%add3A_92, %dma_wait3A_104] : memref<256x64xf32, #tpu.memory_space<vmem>> -> memref<1x64xf32, #tpu.memory_space<vmem>>
      %dma_wait3A_106 = tpu.memref_squeeze %dma_wait3A_105 : memref<1x64xf32, #tpu.memory_space<vmem>> -> memref<64xf32, #tpu.memory_space<vmem>>
      %dma_wait3A_107 = arith.constant 0 : i32
      %dma_wait3A_108 = tpu.memref_slice %arg15[%add3A_92, %dma_wait3A_107] : memref<256x64xf32, #tpu.memory_space<vmem>> -> memref<1x64xf32, #tpu.memory_space<vmem>>
      %dma_wait3A_109 = tpu.memref_squeeze %dma_wait3A_108 : memref<1x64xf32, #tpu.memory_space<vmem>> -> memref<64xf32, #tpu.memory_space<vmem>>
      tpu.wait_dma2 semaphore(%arg20 : memref<!tpu.dma_semaphore, #tpu.memory_space<semaphore_mem>>) src(%arg7 : memref<64xf32, #tpu.memory_space<hbm>>) dst(%dma_wait3A_109 : memref<64xf32, #tpu.memory_space<vmem>>)
    }
    %scan3A_69 = arith.constant 128 : i32
    %scan3A_70 = arith.constant 0 : i32
    %scan3A_71 = arith.constant 0 : i32
    %scan3A_72 = arith.constant 128 : i32
    %scan3A_73 = arith.addi %scan3A_71, %scan3A_72 : i32
    %scan3A_74 = arith.constant 1 : i32
    scf.for %scan3A_90 = %scan3A_71 to %scan3A_73 step %scan3A_74  : i32 {
      %add3A_91 = arith.constant 0 : i32
      %add3A_92 = arith.addi %add3A_91, %scan3A_90 : i32
      %get3A = arith.index_cast %add3A_92 : i32 to index
      %get3A_93 = arith.constant 0 : index
      %get3A_94 = tpu.vector_load %arg13[%get3A, %get3A_93] {strides = array<i32>} : memref<256x64xf32, #tpu.memory_space<vmem>>, vector<16xf32>,
      %get3A_95 = arith.index_cast %add3A_92 : i32 to index
      %get3A_96 = arith.constant 16 : index
      %get3A_97 = tpu.vector_load %arg13[%get3A_95, %get3A_96] {strides = array<i32>} : memref<256x64xf32, #tpu.memory_space<vmem>>, vector<16xf32>,
      %get3A_98 = arith.index_cast %add3A_92 : i32 to index
      %get3A_99 = arith.constant 32 : index
      %get3A_100 = tpu.vector_load %arg13[%get3A_98, %get3A_99] {strides = array<i32>} : memref<256x64xf32, #tpu.memory_space<vmem>>, vector<16xf32>,
      %get3A_101 = arith.index_cast %add3A_92 : i32 to index
      %get3A_102 = arith.constant 48 : index
      %get3A_103 = tpu.vector_load %arg13[%get3A_101, %get3A_102] {strides = array<i32>} : memref<256x64xf32, #tpu.memory_space<vmem>>, vector<16xf32>,
      %get3A_104 = arith.index_cast %add3A_92 : i32 to index
      %get3A_105 = arith.constant 0 : index
      %get3A_106 = tpu.vector_load %arg14[%get3A_104, %get3A_105] {strides = array<i32>} : memref<256x64xf32, #tpu.memory_space<vmem>>, vector<16xf32>,
      %get3A_107 = arith.index_cast %add3A_92 : i32 to index
      %get3A_108 = arith.constant 16 : index
      %get3A_109 = tpu.vector_load %arg14[%get3A_107, %get3A_108] {strides = array<i32>} : memref<256x64xf32, #tpu.memory_space<vmem>>, vector<16xf32>,
      %get3A_110 = arith.index_cast %add3A_92 : i32 to index
      %get3A_111 = arith.constant 32 : index
      %get3A_112 = tpu.vector_load %arg14[%get3A_110, %get3A_111] {strides = array<i32>} : memref<256x64xf32, #tpu.memory_space<vmem>>, vector<16xf32>,
      %get3A_113 = arith.index_cast %add3A_92 : i32 to index
      %get3A_114 = arith.constant 48 : index
      %get3A_115 = tpu.vector_load %arg14[%get3A_113, %get3A_114] {strides = array<i32>} : memref<256x64xf32, #tpu.memory_space<vmem>>, vector<16xf32>,
      %get3A_116 = arith.index_cast %add3A_92 : i32 to index
      %get3A_117 = arith.constant 0 : index
      %get3A_118 = tpu.vector_load %arg15[%get3A_116, %get3A_117] {strides = array<i32>} : memref<256x64xf32, #tpu.memory_space<vmem>>, vector<16xf32>,
      %get3A_119 = arith.index_cast %add3A_92 : i32 to index
      %get3A_120 = arith.constant 16 : index
      %get3A_121 = tpu.vector_load %arg15[%get3A_119, %get3A_120] {strides = array<i32>} : memref<256x64xf32, #tpu.memory_space<vmem>>, vector<16xf32>,
      %get3A_122 = arith.index_cast %add3A_92 : i32 to index
      %get3A_123 = arith.constant 32 : index
      %get3A_124 = tpu.vector_load %arg15[%get3A_122, %get3A_123] {strides = array<i32>} : memref<256x64xf32, #tpu.memory_space<vmem>>, vector<16xf32>,
      %get3A_125 = arith.index_cast %add3A_92 : i32 to index
      %get3A_126 = arith.constant 48 : index
      %get3A_127 = tpu.vector_load %arg15[%get3A_125, %get3A_126] {strides = array<i32>} : memref<256x64xf32, #tpu.memory_space<vmem>>, vector<16xf32>,
      %mul3A_128 = arith.mulf %get3A_94, %get3A_106 : vector<16xf32>
      %mul3A_129 = arith.mulf %get3A_97, %get3A_109 : vector<16xf32>
      %add3A_130 = arith.addf %mul3A_128, %mul3A_129 : vector<16xf32>
      %mul3A_131 = arith.mulf %get3A_100, %get3A_112 : vector<16xf32>
      %add3A_132 = arith.addf %add3A_130, %mul3A_131 : vector<16xf32>
      %mul3A_133 = arith.mulf %get3A_103, %get3A_115 : vector<16xf32>
      %add3A_134 = arith.addf %add3A_132, %mul3A_133 : vector<16xf32>
      %mul3A_135 = arith.mulf %get3A_94, %get3A_118 : vector<16xf32>
      %mul3A_136 = arith.mulf %get3A_97, %get3A_121 : vector<16xf32>
      %add3A_137 = arith.addf %mul3A_135, %mul3A_136 : vector<16xf32>
      %mul3A_138 = arith.mulf %get3A_100, %get3A_124 : vector<16xf32>
      %add3A_139 = arith.addf %add3A_137, %mul3A_138 : vector<16xf32>
      %mul3A_140 = arith.mulf %get3A_103, %get3A_127 : vector<16xf32>
      %add3A_141 = arith.addf %add3A_139, %mul3A_140 : vector<16xf32>
      %add3A_142 = arith.constant 256 : i32
      %add3A_143 = arith.addi %add3A_142, %scan3A_90 : i32
      %mul3A_144 = arith.constant 16 : i32
      %mul3A_145 = arith.muli %add3A_143, %mul3A_144 : i32
      %jit3A = arith.constant 128 : i32
      %div3A = arith.divsi %mul3A_145, %jit3A : i32
      %sign3A = arith.constant 0 : i32
      %sign3A_146 = arith.cmpi sgt, %mul3A_145, %sign3A : i32
      %sign3A_147 = arith.extui %sign3A_146 : i1 to i32
      %sign3A_148 = arith.constant 0 : i32
      %sign3A_149 = arith.cmpi slt, %mul3A_145, %sign3A_148 : i32
      %sign3A_150 = arith.extui %sign3A_149 : i1 to i32
      %sign3A_151 = arith.subi %sign3A_147, %sign3A_150 : i32
      %sign3A_152 = arith.constant 0 : i32
      %sign3A_153 = arith.cmpi sgt, %jit3A, %sign3A_152 : i32
      %sign3A_154 = arith.extui %sign3A_153 : i1 to i32
      %sign3A_155 = arith.constant 0 : i32
      %sign3A_156 = arith.cmpi slt, %jit3A, %sign3A_155 : i32
      %sign3A_157 = arith.extui %sign3A_156 : i1 to i32
      %sign3A_158 = arith.subi %sign3A_154, %sign3A_157 : i32
      %ne3A = arith.cmpi ne, %sign3A_151, %sign3A_158 : i32
      %rem3A = arith.remsi %mul3A_145, %jit3A : i32
      %ne3A_159 = arith.constant 0 : i32
      %ne3A_160 = arith.cmpi ne, %rem3A, %ne3A_159 : i32
      %and3A = arith.andi %ne3A, %ne3A_160 : i1
      %sub3A = arith.constant 1 : i32
      %sub3A_161 = arith.subi %div3A, %sub3A : i32
      %select_n3A = arith.select %and3A, %sub3A_161, %div3A : i32
      %jit3A_162 = arith.constant 128 : i32
      %eq3A = arith.constant 0 : i32
      %eq3A_163 = arith.cmpi eq, %jit3A_162, %eq3A : i32
      %jit3A_164 = arith.constant 1 : i32
      %select_n3A_165 = arith.select %eq3A_163, %jit3A_164, %jit3A_162 : i32
      %rem3A_166 = arith.remsi %mul3A_145, %select_n3A_165 : i32
      %ne3A_167 = arith.constant 0 : i32
      %ne3A_168 = arith.cmpi ne, %rem3A_166, %ne3A_167 : i32
      %lt3A = arith.constant 0 : i32
      %lt3A_169 = arith.cmpi slt, %rem3A_166, %lt3A : i32
      %lt3A_170 = arith.constant 0 : i32
      %lt3A_171 = arith.cmpi slt, %select_n3A_165, %lt3A_170 : i32
      %ne3A_172 = arith.xori %lt3A_169, %lt3A_171 : i1
      %and3A_173 = arith.andi %ne3A_172, %ne3A_168 : i1
      %add3A_174 = arith.addi %rem3A_166, %select_n3A_165 : i32
      %select_n3A_175 = arith.select %and3A_173, %add3A_174, %rem3A_166 : i32
      %swap3A = arith.index_cast %select_n3A : i32 to index
      %swap3A_176 = arith.index_cast %select_n3A_175 : i32 to index
      %swap3A_177 = tpu.vector_load %arg16[%swap3A, %swap3A_176] {strides = array<i32>} : memref<64x128xf32, #tpu.memory_space<vmem>>, vector<16xf32>,
      tpu.vector_store %arg16[%swap3A, %swap3A_176], %add3A_134 {strides = array<i32>} : memref<64x128xf32, #tpu.memory_space<vmem>>, vector<16xf32>,
      %swap3A_178 = arith.index_cast %select_n3A : i32 to index
      %swap3A_179 = arith.index_cast %select_n3A_175 : i32 to index
      %swap3A_180 = tpu.vector_load %arg17[%swap3A_178, %swap3A_179] {strides = array<i32>} : memref<64x128xf32, #tpu.memory_space<vmem>>, vector<16xf32>,
      tpu.vector_store %arg17[%swap3A_178, %swap3A_179], %add3A_141 {strides = array<i32>} : memref<64x128xf32, #tpu.memory_space<vmem>>, vector<16xf32>,
    }
    %scan3A_75 = arith.constant 128 : i32
    %scan3A_76 = arith.constant 0 : i32
    %scan3A_77 = arith.constant 0 : i32
    %scan3A_78 = arith.constant 128 : i32
    %scan3A_79 = arith.addi %scan3A_77, %scan3A_78 : i32
    %scan3A_80 = arith.constant 1 : i32
    scf.for %scan3A_90 = %scan3A_77 to %scan3A_79 step %scan3A_80  : i32 {
      %add3A_91 = arith.constant 128 : i32
      %add3A_92 = arith.addi %add3A_91, %scan3A_90 : i32
      %dma_wait3A = arith.constant 0 : i32
      %dma_wait3A_93 = tpu.memref_slice %arg13[%add3A_92, %dma_wait3A] : memref<256x64xf32, #tpu.memory_space<vmem>> -> memref<1x64xf32, #tpu.memory_space<vmem>>
      %dma_wait3A_94 = tpu.memref_squeeze %dma_wait3A_93 : memref<1x64xf32, #tpu.memory_space<vmem>> -> memref<64xf32, #tpu.memory_space<vmem>>
      %dma_wait3A_95 = arith.constant 0 : i32
      %dma_wait3A_96 = tpu.memref_slice %arg13[%add3A_92, %dma_wait3A_95] : memref<256x64xf32, #tpu.memory_space<vmem>> -> memref<1x64xf32, #tpu.memory_space<vmem>>
      %dma_wait3A_97 = tpu.memref_squeeze %dma_wait3A_96 : memref<1x64xf32, #tpu.memory_space<vmem>> -> memref<64xf32, #tpu.memory_space<vmem>>
      tpu.wait_dma2 semaphore(%arg21 : memref<!tpu.dma_semaphore, #tpu.memory_space<semaphore_mem>>) src(%arg7 : memref<64xf32, #tpu.memory_space<hbm>>) dst(%dma_wait3A_97 : memref<64xf32, #tpu.memory_space<vmem>>)
      %dma_wait3A_98 = arith.constant 0 : i32
      %dma_wait3A_99 = tpu.memref_slice %arg14[%add3A_92, %dma_wait3A_98] : memref<256x64xf32, #tpu.memory_space<vmem>> -> memref<1x64xf32, #tpu.memory_space<vmem>>
      %dma_wait3A_100 = tpu.memref_squeeze %dma_wait3A_99 : memref<1x64xf32, #tpu.memory_space<vmem>> -> memref<64xf32, #tpu.memory_space<vmem>>
      %dma_wait3A_101 = arith.constant 0 : i32
      %dma_wait3A_102 = tpu.memref_slice %arg14[%add3A_92, %dma_wait3A_101] : memref<256x64xf32, #tpu.memory_space<vmem>> -> memref<1x64xf32, #tpu.memory_space<vmem>>
      %dma_wait3A_103 = tpu.memref_squeeze %dma_wait3A_102 : memref<1x64xf32, #tpu.memory_space<vmem>> -> memref<64xf32, #tpu.memory_space<vmem>>
      tpu.wait_dma2 semaphore(%arg22 : memref<!tpu.dma_semaphore, #tpu.memory_space<semaphore_mem>>) src(%arg7 : memref<64xf32, #tpu.memory_space<hbm>>) dst(%dma_wait3A_103 : memref<64xf32, #tpu.memory_space<vmem>>)
      %dma_wait3A_104 = arith.constant 0 : i32
      %dma_wait3A_105 = tpu.memref_slice %arg15[%add3A_92, %dma_wait3A_104] : memref<256x64xf32, #tpu.memory_space<vmem>> -> memref<1x64xf32, #tpu.memory_space<vmem>>
      %dma_wait3A_106 = tpu.memref_squeeze %dma_wait3A_105 : memref<1x64xf32, #tpu.memory_space<vmem>> -> memref<64xf32, #tpu.memory_space<vmem>>
      %dma_wait3A_107 = arith.constant 0 : i32
      %dma_wait3A_108 = tpu.memref_slice %arg15[%add3A_92, %dma_wait3A_107] : memref<256x64xf32, #tpu.memory_space<vmem>> -> memref<1x64xf32, #tpu.memory_space<vmem>>
      %dma_wait3A_109 = tpu.memref_squeeze %dma_wait3A_108 : memref<1x64xf32, #tpu.memory_space<vmem>> -> memref<64xf32, #tpu.memory_space<vmem>>
      tpu.wait_dma2 semaphore(%arg23 : memref<!tpu.dma_semaphore, #tpu.memory_space<semaphore_mem>>) src(%arg7 : memref<64xf32, #tpu.memory_space<hbm>>) dst(%dma_wait3A_109 : memref<64xf32, #tpu.memory_space<vmem>>)
    }
    %scan3A_81 = arith.constant 128 : i32
    %scan3A_82 = arith.constant 0 : i32
    %scan3A_83 = arith.constant 0 : i32
    %scan3A_84 = arith.constant 128 : i32
    %scan3A_85 = arith.addi %scan3A_83, %scan3A_84 : i32
    %scan3A_86 = arith.constant 1 : i32
    scf.for %scan3A_90 = %scan3A_83 to %scan3A_85 step %scan3A_86  : i32 {
      %add3A_91 = arith.constant 128 : i32
      %add3A_92 = arith.addi %add3A_91, %scan3A_90 : i32
      %get3A = arith.index_cast %add3A_92 : i32 to index
      %get3A_93 = arith.constant 0 : index
      %get3A_94 = tpu.vector_load %arg13[%get3A, %get3A_93] {strides = array<i32>} : memref<256x64xf32, #tpu.memory_space<vmem>>, vector<16xf32>,
      %get3A_95 = arith.index_cast %add3A_92 : i32 to index
      %get3A_96 = arith.constant 16 : index
      %get3A_97 = tpu.vector_load %arg13[%get3A_95, %get3A_96] {strides = array<i32>} : memref<256x64xf32, #tpu.memory_space<vmem>>, vector<16xf32>,
      %get3A_98 = arith.index_cast %add3A_92 : i32 to index
      %get3A_99 = arith.constant 32 : index
      %get3A_100 = tpu.vector_load %arg13[%get3A_98, %get3A_99] {strides = array<i32>} : memref<256x64xf32, #tpu.memory_space<vmem>>, vector<16xf32>,
      %get3A_101 = arith.index_cast %add3A_92 : i32 to index
      %get3A_102 = arith.constant 48 : index
      %get3A_103 = tpu.vector_load %arg13[%get3A_101, %get3A_102] {strides = array<i32>} : memref<256x64xf32, #tpu.memory_space<vmem>>, vector<16xf32>,
      %get3A_104 = arith.index_cast %add3A_92 : i32 to index
      %get3A_105 = arith.constant 0 : index
      %get3A_106 = tpu.vector_load %arg14[%get3A_104, %get3A_105] {strides = array<i32>} : memref<256x64xf32, #tpu.memory_space<vmem>>, vector<16xf32>,
      %get3A_107 = arith.index_cast %add3A_92 : i32 to index
      %get3A_108 = arith.constant 16 : index
      %get3A_109 = tpu.vector_load %arg14[%get3A_107, %get3A_108] {strides = array<i32>} : memref<256x64xf32, #tpu.memory_space<vmem>>, vector<16xf32>,
      %get3A_110 = arith.index_cast %add3A_92 : i32 to index
      %get3A_111 = arith.constant 32 : index
      %get3A_112 = tpu.vector_load %arg14[%get3A_110, %get3A_111] {strides = array<i32>} : memref<256x64xf32, #tpu.memory_space<vmem>>, vector<16xf32>,
      %get3A_113 = arith.index_cast %add3A_92 : i32 to index
      %get3A_114 = arith.constant 48 : index
      %get3A_115 = tpu.vector_load %arg14[%get3A_113, %get3A_114] {strides = array<i32>} : memref<256x64xf32, #tpu.memory_space<vmem>>, vector<16xf32>,
      %get3A_116 = arith.index_cast %add3A_92 : i32 to index
      %get3A_117 = arith.constant 0 : index
      %get3A_118 = tpu.vector_load %arg15[%get3A_116, %get3A_117] {strides = array<i32>} : memref<256x64xf32, #tpu.memory_space<vmem>>, vector<16xf32>,
      %get3A_119 = arith.index_cast %add3A_92 : i32 to index
      %get3A_120 = arith.constant 16 : index
      %get3A_121 = tpu.vector_load %arg15[%get3A_119, %get3A_120] {strides = array<i32>} : memref<256x64xf32, #tpu.memory_space<vmem>>, vector<16xf32>,
      %get3A_122 = arith.index_cast %add3A_92 : i32 to index
      %get3A_123 = arith.constant 32 : index
      %get3A_124 = tpu.vector_load %arg15[%get3A_122, %get3A_123] {strides = array<i32>} : memref<256x64xf32, #tpu.memory_space<vmem>>, vector<16xf32>,
      %get3A_125 = arith.index_cast %add3A_92 : i32 to index
      %get3A_126 = arith.constant 48 : index
      %get3A_127 = tpu.vector_load %arg15[%get3A_125, %get3A_126] {strides = array<i32>} : memref<256x64xf32, #tpu.memory_space<vmem>>, vector<16xf32>,
      %mul3A_128 = arith.mulf %get3A_94, %get3A_106 : vector<16xf32>
      %mul3A_129 = arith.mulf %get3A_97, %get3A_109 : vector<16xf32>
      %add3A_130 = arith.addf %mul3A_128, %mul3A_129 : vector<16xf32>
      %mul3A_131 = arith.mulf %get3A_100, %get3A_112 : vector<16xf32>
      %add3A_132 = arith.addf %add3A_130, %mul3A_131 : vector<16xf32>
      %mul3A_133 = arith.mulf %get3A_103, %get3A_115 : vector<16xf32>
      %add3A_134 = arith.addf %add3A_132, %mul3A_133 : vector<16xf32>
      %mul3A_135 = arith.mulf %get3A_94, %get3A_118 : vector<16xf32>
      %mul3A_136 = arith.mulf %get3A_97, %get3A_121 : vector<16xf32>
      %add3A_137 = arith.addf %mul3A_135, %mul3A_136 : vector<16xf32>
      %mul3A_138 = arith.mulf %get3A_100, %get3A_124 : vector<16xf32>
      %add3A_139 = arith.addf %add3A_137, %mul3A_138 : vector<16xf32>
      %mul3A_140 = arith.mulf %get3A_103, %get3A_127 : vector<16xf32>
      %add3A_141 = arith.addf %add3A_139, %mul3A_140 : vector<16xf32>
      %add3A_142 = arith.constant 384 : i32
      %add3A_143 = arith.addi %add3A_142, %scan3A_90 : i32
      %mul3A_144 = arith.constant 16 : i32
      %mul3A_145 = arith.muli %add3A_143, %mul3A_144 : i32
      %jit3A = arith.constant 128 : i32
      %div3A = arith.divsi %mul3A_145, %jit3A : i32
      %sign3A = arith.constant 0 : i32
      %sign3A_146 = arith.cmpi sgt, %mul3A_145, %sign3A : i32
      %sign3A_147 = arith.extui %sign3A_146 : i1 to i32
      %sign3A_148 = arith.constant 0 : i32
      %sign3A_149 = arith.cmpi slt, %mul3A_145, %sign3A_148 : i32
      %sign3A_150 = arith.extui %sign3A_149 : i1 to i32
      %sign3A_151 = arith.subi %sign3A_147, %sign3A_150 : i32
      %sign3A_152 = arith.constant 0 : i32
      %sign3A_153 = arith.cmpi sgt, %jit3A, %sign3A_152 : i32
      %sign3A_154 = arith.extui %sign3A_153 : i1 to i32
      %sign3A_155 = arith.constant 0 : i32
      %sign3A_156 = arith.cmpi slt, %jit3A, %sign3A_155 : i32
      %sign3A_157 = arith.extui %sign3A_156 : i1 to i32
      %sign3A_158 = arith.subi %sign3A_154, %sign3A_157 : i32
      %ne3A = arith.cmpi ne, %sign3A_151, %sign3A_158 : i32
      %rem3A = arith.remsi %mul3A_145, %jit3A : i32
      %ne3A_159 = arith.constant 0 : i32
      %ne3A_160 = arith.cmpi ne, %rem3A, %ne3A_159 : i32
      %and3A = arith.andi %ne3A, %ne3A_160 : i1
      %sub3A = arith.constant 1 : i32
      %sub3A_161 = arith.subi %div3A, %sub3A : i32
      %select_n3A = arith.select %and3A, %sub3A_161, %div3A : i32
      %jit3A_162 = arith.constant 128 : i32
      %eq3A = arith.constant 0 : i32
      %eq3A_163 = arith.cmpi eq, %jit3A_162, %eq3A : i32
      %jit3A_164 = arith.constant 1 : i32
      %select_n3A_165 = arith.select %eq3A_163, %jit3A_164, %jit3A_162 : i32
      %rem3A_166 = arith.remsi %mul3A_145, %select_n3A_165 : i32
      %ne3A_167 = arith.constant 0 : i32
      %ne3A_168 = arith.cmpi ne, %rem3A_166, %ne3A_167 : i32
      %lt3A = arith.constant 0 : i32
      %lt3A_169 = arith.cmpi slt, %rem3A_166, %lt3A : i32
      %lt3A_170 = arith.constant 0 : i32
      %lt3A_171 = arith.cmpi slt, %select_n3A_165, %lt3A_170 : i32
      %ne3A_172 = arith.xori %lt3A_169, %lt3A_171 : i1
      %and3A_173 = arith.andi %ne3A_172, %ne3A_168 : i1
      %add3A_174 = arith.addi %rem3A_166, %select_n3A_165 : i32
      %select_n3A_175 = arith.select %and3A_173, %add3A_174, %rem3A_166 : i32
      %swap3A = arith.index_cast %select_n3A : i32 to index
      %swap3A_176 = arith.index_cast %select_n3A_175 : i32 to index
      %swap3A_177 = tpu.vector_load %arg16[%swap3A, %swap3A_176] {strides = array<i32>} : memref<64x128xf32, #tpu.memory_space<vmem>>, vector<16xf32>,
      tpu.vector_store %arg16[%swap3A, %swap3A_176], %add3A_134 {strides = array<i32>} : memref<64x128xf32, #tpu.memory_space<vmem>>, vector<16xf32>,
      %swap3A_178 = arith.index_cast %select_n3A : i32 to index
      %swap3A_179 = arith.index_cast %select_n3A_175 : i32 to index
      %swap3A_180 = tpu.vector_load %arg17[%swap3A_178, %swap3A_179] {strides = array<i32>} : memref<64x128xf32, #tpu.memory_space<vmem>>, vector<16xf32>,
      tpu.vector_store %arg17[%swap3A_178, %swap3A_179], %add3A_141 {strides = array<i32>} : memref<64x128xf32, #tpu.memory_space<vmem>>, vector<16xf32>,
    }
    %scan3A_87 = arith.constant 128 : i32
    %mul3A_88 = arith.constant 64 : i32
    %mul3A_89 = arith.muli %add3A, %mul3A_88 : i32
    "tpu.region"() ({
      %run_scoped3A = tpu.sem_alloc : memref<!tpu.dma_semaphore, #tpu.memory_space<semaphore_mem>>
      %dma_start3A = arith.constant 0 : i32
      %dma_start3A_90 = tpu.memref_slice %arg8[%mul3A_89, %dma_start3A] : memref<2048x128xf32, #tpu.memory_space<hbm>> -> memref<64x128xf32, #tpu.memory_space<hbm>>
      %dma_start3A_91 = arith.constant 0 : i32
      %dma_start3A_92 = tpu.memref_slice %arg8[%mul3A_89, %dma_start3A_91] : memref<2048x128xf32, #tpu.memory_space<hbm>> -> memref<64x128xf32, #tpu.memory_space<hbm>>
      tpu.enqueue_dma source(%arg16 : memref<64x128xf32, #tpu.memory_space<vmem>>) target(%dma_start3A_92 : memref<64x128xf32, #tpu.memory_space<hbm>>) target_semaphore(%run_scoped3A : memref<!tpu.dma_semaphore, #tpu.memory_space<semaphore_mem>>)
      %dma_wait3A = arith.constant 0 : i32
      %dma_wait3A_93 = tpu.memref_slice %arg8[%mul3A_89, %dma_wait3A] : memref<2048x128xf32, #tpu.memory_space<hbm>> -> memref<64x128xf32, #tpu.memory_space<hbm>>
      %dma_wait3A_94 = arith.constant 0 : i32
      %dma_wait3A_95 = tpu.memref_slice %arg8[%mul3A_89, %dma_wait3A_94] : memref<2048x128xf32, #tpu.memory_space<hbm>> -> memref<64x128xf32, #tpu.memory_space<hbm>>
      tpu.wait_dma2 semaphore(%run_scoped3A : memref<!tpu.dma_semaphore, #tpu.memory_space<semaphore_mem>>) src(%arg16 : memref<64x128xf32, #tpu.memory_space<vmem>>) dst(%dma_wait3A_95 : memref<64x128xf32, #tpu.memory_space<hbm>>)
      tpu.yield
    }) : () -> ()
    "tpu.region"() ({
      %run_scoped3A = tpu.sem_alloc : memref<!tpu.dma_semaphore, #tpu.memory_space<semaphore_mem>>
      %dma_start3A = arith.constant 0 : i32
      %dma_start3A_90 = tpu.memref_slice %arg9[%mul3A_89, %dma_start3A] : memref<2048x128xf32, #tpu.memory_space<hbm>> -> memref<64x128xf32, #tpu.memory_space<hbm>>
      %dma_start3A_91 = arith.constant 0 : i32
      %dma_start3A_92 = tpu.memref_slice %arg9[%mul3A_89, %dma_start3A_91] : memref<2048x128xf32, #tpu.memory_space<hbm>> -> memref<64x128xf32, #tpu.memory_space<hbm>>
      tpu.enqueue_dma source(%arg17 : memref<64x128xf32, #tpu.memory_space<vmem>>) target(%dma_start3A_92 : memref<64x128xf32, #tpu.memory_space<hbm>>) target_semaphore(%run_scoped3A : memref<!tpu.dma_semaphore, #tpu.memory_space<semaphore_mem>>)
      %dma_wait3A = arith.constant 0 : i32
      %dma_wait3A_93 = tpu.memref_slice %arg9[%mul3A_89, %dma_wait3A] : memref<2048x128xf32, #tpu.memory_space<hbm>> -> memref<64x128xf32, #tpu.memory_space<hbm>>
      %dma_wait3A_94 = arith.constant 0 : i32
      %dma_wait3A_95 = tpu.memref_slice %arg9[%mul3A_89, %dma_wait3A_94] : memref<2048x128xf32, #tpu.memory_space<hbm>> -> memref<64x128xf32, #tpu.memory_space<hbm>>
      tpu.wait_dma2 semaphore(%run_scoped3A : memref<!tpu.dma_semaphore, #tpu.memory_space<semaphore_mem>>) src(%arg17 : memref<64x128xf32, #tpu.memory_space<vmem>>) dst(%dma_wait3A_95 : memref<64x128xf32, #tpu.memory_space<hbm>>)
      tpu.yield
    }) : () -> ()
    return
  }
}

module attributes {stable_mosaic.version = 14 : i64} {
  func.func @body(%arg0: memref<2048x128xf32, #tpu.memory_space<vmem>>, %arg1: memref<2048x128xf32, #tpu.memory_space<vmem>>, %arg2: memref<1x1xf32, #tpu.memory_space<vmem>>) attributes {dimension_semantics = [], scalar_prefetch = 0 : i64, scratch_operands = 0 : i64, tpu.core_type = #tpu.core_type<tc>} {
    %iota3A = tpu.iota {dimensions = array<i32: 0>} : vector<128x8xi32>
    %jit3A = arith.constant 16 : i32
    %div3A = vector.broadcast %jit3A : i32 to vector<128x8xi32>
    %div3A_0 = arith.divsi %iota3A, %div3A : vector<128x8xi32>
    %sign3A = arith.constant 0 : i32
    %sign3A_1 = vector.broadcast %sign3A : i32 to vector<128x8xi32>
    %sign3A_2 = arith.cmpi sgt, %iota3A, %sign3A_1 : vector<128x8xi32>
    %sign3A_3 = arith.extui %sign3A_2 : vector<128x8xi1> to vector<128x8xi32>
    %sign3A_4 = arith.constant 0 : i32
    %sign3A_5 = vector.broadcast %sign3A_4 : i32 to vector<128x8xi32>
    %sign3A_6 = arith.cmpi slt, %iota3A, %sign3A_5 : vector<128x8xi32>
    %sign3A_7 = arith.extui %sign3A_6 : vector<128x8xi1> to vector<128x8xi32>
    %sign3A_8 = arith.subi %sign3A_3, %sign3A_7 : vector<128x8xi32>
    %sign3A_9 = arith.constant 0 : i32
    %sign3A_10 = arith.cmpi sgt, %jit3A, %sign3A_9 : i32
    %sign3A_11 = arith.extui %sign3A_10 : i1 to i32
    %sign3A_12 = arith.constant 0 : i32
    %sign3A_13 = arith.cmpi slt, %jit3A, %sign3A_12 : i32
    %sign3A_14 = arith.extui %sign3A_13 : i1 to i32
    %sign3A_15 = arith.subi %sign3A_11, %sign3A_14 : i32
    %ne3A = vector.broadcast %sign3A_15 : i32 to vector<128x8xi32>
    %ne3A_16 = arith.cmpi ne, %sign3A_8, %ne3A : vector<128x8xi32>
    %rem3A = vector.broadcast %jit3A : i32 to vector<128x8xi32>
    %rem3A_17 = arith.remsi %iota3A, %rem3A : vector<128x8xi32>
    %ne3A_18 = arith.constant 0 : i32
    %ne3A_19 = vector.broadcast %ne3A_18 : i32 to vector<128x8xi32>
    %ne3A_20 = arith.cmpi ne, %rem3A_17, %ne3A_19 : vector<128x8xi32>
    %and3A = arith.andi %ne3A_16, %ne3A_20 : vector<128x8xi1>
    %sub3A = arith.constant 1 : i32
    %sub3A_21 = vector.broadcast %sub3A : i32 to vector<128x8xi32>
    %sub3A_22 = arith.subi %div3A_0, %sub3A_21 : vector<128x8xi32>
    %select_n3A = arith.select %and3A, %sub3A_22, %div3A_0 : vector<128x8xi1>, vector<128x8xi32>
    %iota3A_23 = tpu.iota {dimensions = array<i32: 1>} : vector<128x8xi32>
    %eq3A = arith.cmpi eq, %select_n3A, %iota3A_23 : vector<128x8xi32>
    %convert_element_type3A = arith.extui %eq3A : vector<128x8xi1> to vector<128x8xi32>
    %convert_element_type3A_24 = arith.sitofp %convert_element_type3A : vector<128x8xi32> to vector<128x8xf32>
    %get3A = arith.constant 0 : index
    %get3A_25 = arith.constant 0 : index
    %get3A_26 = vector.load %arg0[%get3A, %get3A_25] : memref<2048x128xf32, #tpu.memory_space<vmem>>, vector<2048x128xf32>
    %dot_general3A = arith.constant dense<0.000000e+00> : vector<2048x8xf32>
    %dot_general3A_27 = tpu.matmul %get3A_26, %convert_element_type3A_24, %dot_general3A {dimension_numbers = #tpu.dot_dimension_numbers<[1], [0], [0], [1], [0, 0, 1, 1], [], []>, transpose_lhs_hint = false} : vector<2048x128xf32>, vector<128x8xf32>, vector<2048x8xf32> -> vector<2048x8xf32>
    %get3A_28 = arith.constant 0 : index
    %get3A_29 = arith.constant 0 : index
    %get3A_30 = vector.load %arg1[%get3A_28, %get3A_29] : memref<2048x128xf32, #tpu.memory_space<vmem>>, vector<2048x128xf32>
    %dot_general3A_31 = arith.constant dense<0.000000e+00> : vector<2048x8xf32>
    %dot_general3A_32 = tpu.matmul %get3A_30, %convert_element_type3A_24, %dot_general3A_31 {dimension_numbers = #tpu.dot_dimension_numbers<[1], [0], [0], [1], [0, 0, 1, 1], [], []>, transpose_lhs_hint = false} : vector<2048x128xf32>, vector<128x8xf32>, vector<2048x8xf32> -> vector<2048x8xf32>
    %logistic3A = arith.negf %dot_general3A_27 : vector<2048x8xf32>
    %logistic3A_33 = math.exp %logistic3A : vector<2048x8xf32>
    %logistic3A_34 = arith.constant 1.000000e+00 : f32
    %logistic3A_35 = vector.broadcast %logistic3A_34 : f32 to vector<2048x8xf32>
    %logistic3A_36 = arith.addf %logistic3A_35, %logistic3A_33 : vector<2048x8xf32>
    %logistic3A_37 = arith.divf %logistic3A_35, %logistic3A_36 : vector<2048x8xf32>
    %logistic3A_38 = arith.negf %dot_general3A_32 : vector<2048x8xf32>
    %logistic3A_39 = math.exp %logistic3A_38 : vector<2048x8xf32>
    %logistic3A_40 = arith.constant 1.000000e+00 : f32
    %logistic3A_41 = vector.broadcast %logistic3A_40 : f32 to vector<2048x8xf32>
    %logistic3A_42 = arith.addf %logistic3A_41, %logistic3A_39 : vector<2048x8xf32>
    %logistic3A_43 = arith.divf %logistic3A_41, %logistic3A_42 : vector<2048x8xf32>
    %add3A = arith.constant 9.99999971E-10 : f32
    %add3A_44 = vector.broadcast %add3A : f32 to vector<2048x8xf32>
    %add3A_45 = arith.addf %logistic3A_37, %add3A_44 : vector<2048x8xf32>
    %log3A = math.log %add3A_45 : vector<2048x8xf32>
    %reduce_sum3A = vector.shape_cast %log3A : vector<2048x8xf32> to vector<1x2048x8xf32>
    %reduce_sum3A_46 = arith.constant dense<0.000000e+00> : vector<1xf32>
    %reduce_sum3A_47 = vector.multi_reduction <add>, %reduce_sum3A, %reduce_sum3A_46 [1, 2] : vector<1x2048x8xf32> to vector<1xf32>
    %reduce_sum3A_48 = vector.shape_cast %reduce_sum3A_47 : vector<1xf32> to vector<1x1x1xf32>
    %reduce_sum3A_49 = vector.extract %reduce_sum3A_48[0, 0, 0] : f32 from vector<1x1x1xf32>
    %div3A_50 = arith.constant 1.638400e+04 : f32
    %div3A_51 = arith.divf %reduce_sum3A_49, %div3A_50 : f32
    %neg3A = arith.constant 0.000000e+00 : f32
    %neg3A_52 = arith.subf %neg3A, %div3A_51 : f32
    %sub3A_53 = arith.constant 1.000000e+00 : f32
    %sub3A_54 = vector.broadcast %sub3A_53 : f32 to vector<2048x8xf32>
    %sub3A_55 = arith.subf %sub3A_54, %logistic3A_43 : vector<2048x8xf32>
    %add3A_56 = arith.constant 9.99999971E-10 : f32
    %add3A_57 = vector.broadcast %add3A_56 : f32 to vector<2048x8xf32>
    %add3A_58 = arith.addf %sub3A_55, %add3A_57 : vector<2048x8xf32>
    %log3A_59 = math.log %add3A_58 : vector<2048x8xf32>
    %reduce_sum3A_60 = vector.shape_cast %log3A_59 : vector<2048x8xf32> to vector<1x2048x8xf32>
    %reduce_sum3A_61 = arith.constant dense<0.000000e+00> : vector<1xf32>
    %reduce_sum3A_62 = vector.multi_reduction <add>, %reduce_sum3A_60, %reduce_sum3A_61 [1, 2] : vector<1x2048x8xf32> to vector<1xf32>
    %reduce_sum3A_63 = vector.shape_cast %reduce_sum3A_62 : vector<1xf32> to vector<1x1x1xf32>
    %reduce_sum3A_64 = vector.extract %reduce_sum3A_63[0, 0, 0] : f32 from vector<1x1x1xf32>
    %div3A_65 = arith.constant 1.638400e+04 : f32
    %div3A_66 = arith.divf %reduce_sum3A_64, %div3A_65 : f32
    %sub3A_67 = arith.subf %neg3A_52, %div3A_66 : f32
    %broadcast_in_dim3A = vector.broadcast %sub3A_67 : f32 to vector<1x1xf32>
    %swap3A = arith.constant 0 : index
    %swap3A_68 = arith.constant 0 : index
    %swap3A_69 = vector.load %arg2[%swap3A, %swap3A_68] : memref<1x1xf32, #tpu.memory_space<vmem>>, vector<1x1xf32>
    tpu.vector_store %arg2[%swap3A, %swap3A_68], %broadcast_in_dim3A {strides = array<i32>} : memref<1x1xf32, #tpu.memory_space<vmem>>, vector<1x1xf32>,
    return
  }
}

</mosaic_0001>

<sc_bundles>
// kernel: kernel.4.cloned.1.call-start
scs
__scs_entry_jumppad:
0x0: {  	(pc) =	sbr.rel $0x88, $3  }
0x1: {  	(tag) =	ssettag $0x0;
	lr =	simm.s32 $0x1  }
0x2: {  	[smem:$0x3F9C] =	sst lr;
	_ =	strace $0xD0000000  }
0x3: {  	_ = 	snop  }
0x4: {  	_ = 	snop  }
0x5: {  	_ = 	snop  }
0x6: {  	_ = 	snop  }
0x7: {  	_ = 	snop  }
__scs_overlays_trampoline_lowered:
0x8: {  	[smem:$0x3FAB] =	sst s0  }
0x9: {  	[smem:$0x3FAC] =	sst s1  }
0xa: {  	[smem:$0x3FAD] =	sst s2  }
0xb: {  	[smem:$0x3FAE] =	sst s3  }
0xc: {  	[smem:$0x3FAF] =	sst s4  }
0xd: {  	[smem:$0x3FB0] =	sst s5  }
0xe: {  	[smem:$0x3FB1] =	sst s6  }
0xf: {  	[smem:$0x3FB2] =	sst s7  }
0x10: {  	[smem:$0x3FB3] =	sst s8  }
0x11: {  	[smem:$0x3FB4] =	sst s9;
	s0 =	simm.s32 @!p0 $0x0  }
0x12: {  	s1 =	sld [smem:$0x3F9A];
	s0 =	simm.s32 @p0 $0x1  }
0x13: {  	[smem:$0x3FB5] =	sst s0;
	s0 =	simm.s32 @!p1 $0x0  }
0x14: {  	s2 =	sld [smem:$0x3F99];
	s0 =	simm.s32 @p1 $0x1  }
0x15: {  	[smem:$0x3FB6] =	sst s0;
	s0 =	simm.s32 @!p2 $0x0  }
0x16: {  	s3 =	sld [smem:$0x3FDB];
	s0 =	simm.s32 @p2 $0x1  }
0x17: {  	s4 =	simm.s32 $0x1BF5;
	[smem:$0x3FB8] =	sst s0  }
0x18: {  	s0 =	sld [smem:$0x3F9B];
	_ =	swait.ge [sflag:s4], $0x0  }
0x19: {  	s7 =	sld [smem:$0x3F9C]  }
0x1a: {  	s8 =	sadd.s32 $0xFFFFE003, lr  }
0x1b: {  	s9 =	sadd.s32 $0xFFFFFEF7, lr;
	s5 =	simm.s32 $0xFFFFFFFF;
	p2 =	slt.u32 s8, $0xFFFFF086  }
0x1c: {  	p1 =	slt.u32 s9, $0xF7A;
	s5 =	simm.s32 @!p2 $0x0  }
0x1d: {  	s5 =	simm.s32 @p1 $0x1;
	p0 =	seq.s32 s7, s2  }
0x1e: {  	s7 =	smul.u32 @!p0 $0xF7A, s2;
	p2 =	seq.s32 @!p0 s5, $0x0  }
0x1f: {  	s9 =	smul.u32 $0xF7A, s1;
	s8 =	simm.s32 @!p0 $0x1BF5;
	p2 =	por !p2, p0  }
0x20: {  	[sflag:s8] =	ssyncset.s32 @!p0 $0xFFFFF086;
	s6 =	sadd.s32 @!p0 s3, s7;
	s7 =	simm.s32 @!p0 $0x108  }
0x21: {  	s3 =	sadd.s32 s3, s9;
	s6 =	sadd.s32 @!p0 $0x88, s6;
	s7 =	simm.s32 @p2 $0x1082  }
0x22: {  	[simem:s7], [sflag:s8] =	dma.local @!p0 [hbm:s6], $0xF7A  }
0x23: {  	s9 =	sor.u32 $0xD0000000, s2;
	s6 =	simm.s32 $0x108;
	_ =	swait.ge @!p0 [sflag:s8], $0x0  }
0x24: {  	s3 =	sadd.s32 $0x88, s3;
	s6 =	simm.s32 @!p1 $0x1082;
	[sflag:s4] =	ssyncset.s32 $0xFFFFF086  }
0x25: {  	[simem:s6], [sflag:s4] =	dma.local [hbm:s3], $0xF7A  }
0x26: {  	[smem:$0x3F9C] =	sst s1;
	(tag) =	ssettag s2;
	_ =	strace s9  }
0x27: {  	s1 =	sld [smem:$0x3FAC]  }
0x28: {  	s2 =	sld [smem:$0x3FAD]  }
0x29: {  	s4 =	sld [smem:$0x3FAF]  }
0x2a: {  	p0 =	seq.s32 s5, $0x0;
	s5 =	sld [smem:$0x3FB0]  }
0x2b: {  	s6 =	sld [smem:$0x3FB1]  }
0x2c: {  	s7 =	sld [smem:$0x3FB2]  }
0x2d: {  	s3 =	simm.s32 $0x108;
	s8 =	sld [smem:$0x3FB3]  }
0x2e: {  	s3 =	simm.s32 @!p0 $0x1082;
	s9 =	sld [smem:$0x3FB4]  }
0x2f: {  	lr =	sadd.s32 s0, s3;
	s0 =	sld [smem:$0x3FAB]  }
0x30: {  	s3 =	sld [smem:$0x3FAE]  }
0x31: {  	[smem:$0x3FB7] =	sst s10  }
0x32: {  	s10 =	sld [smem:$0x3FB5];
	_ =	sdelay $0x3  }
0x33: {  	p0 =	seq.s32 s10, $0x1;
	s10 =	sld [smem:$0x3FB7];
	_ =	sdelay $0x3  }
0x34: {  	[smem:$0x3FB7] =	sst s10  }
0x35: {  	s10 =	sld [smem:$0x3FB6];
	_ =	sdelay $0x3  }
0x36: {  	p1 =	seq.s32 s10, $0x1;
	s10 =	sld [smem:$0x3FB7];
	_ =	sdelay $0x3  }
0x37: {  	[smem:$0x3FB7] =	sst s10  }
0x38: {  	s10 =	sld [smem:$0x3FB8]  }
0x39: {  	_ = 	snop;
	(pc) =	sbr.ind lr, $3  }
0x3a: {  	_ = 	snop  }
0x3b: {  	_ = 	snop  }
0x3c: {  	p2 =	seq.s32 s10, $0x1;
	s10 =	sld [smem:$0x3FB7]  }
0x3d: {  	_ =	shalt  }
0x3e: {  	_ =	shalt  }
0x3f: {  	_ =	shalt  }
0x40: {  	_ =	shalt  }
0x41: {  	_ =	shalt  }
0x42: {  	_ =	shalt  }
0x43: {  	_ =	shalt  }
0x44: {  	_ =	shalt  }
0x45: {  	_ =	shalt  }
0x46: {  	_ =	shalt  }
0x47: {  	_ =	shalt  }
0x48: {  	_ =	shalt  }
0x49: {  	_ =	shalt  }
0x4a: {  	_ =	shalt  }
0x4b: {  	_ =	shalt  }
0x4c: {  	_ =	shalt  }
0x4d: {  	_ =	shalt  }
0x4e: {  	_ =	shalt  }
0x4f: {  	_ =	shalt  }
0x50: {  	_ =	shalt  }
0x51: {  	_ =	shalt  }
0x52: {  	_ =	shalt  }
0x53: {  	_ =	shalt  }
0x54: {  	_ =	shalt  }
0x55: {  	_ =	shalt  }
0x56: {  	_ =	shalt  }
0x57: {  	_ =	shalt  }
0x58: {  	_ =	shalt  }
0x59: {  	_ =	shalt  }
0x5a: {  	_ =	shalt  }
0x5b: {  	_ =	shalt  }
0x5c: {  	_ =	shalt  }
0x5d: {  	_ =	shalt  }
0x5e: {  	_ =	shalt  }
0x5f: {  	_ =	shalt  }
0x60: {  	_ =	shalt  }
0x61: {  	_ =	shalt  }
0x62: {  	_ =	shalt  }
0x63: {  	_ =	shalt  }
0x64: {  	_ =	shalt  }
0x65: {  	_ =	shalt  }
0x66: {  	_ =	shalt  }
0x67: {  	_ =	shalt  }
0x68: {  	_ =	shalt  }
0x69: {  	_ =	shalt  }
0x6a: {  	_ =	shalt  }
0x6b: {  	_ =	shalt  }
0x6c: {  	_ =	shalt  }
0x6d: {  	_ =	shalt  }
0x6e: {  	_ =	shalt  }
0x6f: {  	_ =	shalt  }
0x70: {  	_ =	shalt  }
0x71: {  	_ =	shalt  }
0x72: {  	_ =	shalt  }
0x73: {  	_ =	shalt  }
0x74: {  	_ =	shalt  }
0x75: {  	_ =	shalt  }
0x76: {  	_ =	shalt  }
0x77: {  	_ =	shalt  }
0x78: {  	_ =	shalt  }
0x79: {  	_ =	shalt  }
0x7a: {  	_ =	shalt  }
0x7b: {  	_ =	shalt  }
0x7c: {  	_ =	shalt  }
0x7d: {  	_ =	shalt  }
0x7e: {  	_ =	shalt  }
0x7f: {  	_ =	shalt  }
0x80: {  	_ =	shalt  }
0x81: {  	_ =	shalt  }
0x82: {  	_ =	shalt  }
0x83: {  	_ =	shalt  }
0x84: {  	_ =	shalt  }
0x85: {  	_ =	shalt  }
0x86: {  	_ =	shalt  }
0x87: {  	_ =	shalt  }
.Lfunc_end0:
.L_simem_size_0:
called_computation_lowered:
.L_overlay_start_0:
0x88: {  	s2 =	sld [smem:$0x3FD9]  }
0x89: {  	s3 =	sld [smem:$0x3FFE];
	_ =	sdelay $0x1  }
0x8a: {  	s1 =	srdreg.scid  }
0x8b: {  	s0 =	sand.u32 $0x1, s1  }
0x8c: {  	s17 =	sshll.u32 s0, $0xA;
	s2 =	sadd.s32 s3, s2  }
0x8d: {  	s2 =	sadd.s32 s2, s17  }
0x8e: {  	[smem:$0x3FC3] =	sst s2  }
0x8f: {  	_ = 	snop  }
0x90: {  	s2 =	sld [smem:$0x3FC9]  }
0x91: {  	s18 =	sld [smem:$0x3FC8]  }
0x92: {  	s4 =	sld [smem:$0x3FC7];
	(tm) =	ssettm $0x1  }
0x93: {  	s5 =	sld [smem:$0x3FFB];
	_ =	sdelay $0x3  }
0x94: {  	_ =	strace s5  }
0x95: {  	s5 =	sld [smem:$0x3FFC];
	_ =	sdelay $0x3  }
0x96: {  	_ =	strace s5  }
0x97: {  	s5 =	sld [smem:$0x3FFD];
	_ =	sdelay $0x3  }
0x98: {  	_ =	strace s5  }
0x99: {  	_ =	strace $0x8FFFFFFF  }
0x9a: {  	s19 =	sld [smem:$0x3FDB];
	_ =	sdelay $0x1  }
0x9b: {  	s6 =	simm.s32 $_scs_section_size  }
0x9c: {  	s7 =	simm.s32 $_size__tile_overlayer_lowered;
	s8 =	simm.s32 $_tile_overlayer_lowered  }
0x9d: {  	s22 =	simm.s32 $0x1BFF;
	s21 =	sshll.u32 s8, $0x1;
	s5 =	sadd.s32 s6, s19  }
0x9e: {  	s9 =	simm.s32 $0x0;
	s20 =	sshll.u32 s7, $0x1;
	s7 =	sadd.s32 s21, s5  }
0x9f: {  	[timem:s9], [sflag:s22] =	dma.local [hbm:s7], s20  }
0xa0: {  	_ =	swait.ge [sflag:s22], s20  }
0xa1: {  	s6 =	ssub.s32 $0x0, s20;
	[sflag:s22] =	ssyncset.done $0x0  }
0xa2: {  	[sflag:s22] =	ssyncadd.s32 s6;
	_ =	sdelay $0x1  }
0xa3: {  	s23 =	simm.s32 $0x1B8B  }
0xa4: {  	_ =	swait.ge [sflag:s23], $0x1  }
0xa5: {  	[sflag:s23] =	ssyncset.done $0x0  }
0xa6: {  	s25 =	simm.s32 $0x1B8E;
	s24 =	sld [smem:$0x3FFE];
	[sflag:s23] =	ssyncadd.s32 $0xFFFFFFFF  }
0xa7: {  	s26 =	simm.s32 $execute0_lowered;
	[smem:$0x3FD2] =	sst s25  }
0xa8: {  	s7 =	sshll.u32 s26, $0x1;
	_ =	strace $0x80000046;
	[dreg:$0x1] =	wrdreg $0xFFFFFFFF  }
0xa9: {  	s28 =	simm.s32 $_size_execute0_lowered;
	s5 =	sadd.s32 s5, s7;
	[dreg:$0x0] =	wrdreg $0x0  }
0xaa: {  	s7 =	sshll.u32 s28, $0x1;
	[dreg:$0x2] =	wrdreg s5  }
0xab: {  	[dreg:$0x3] =	wrdreg s7  }
0xac: {  	[dreg:$0x4] =	wrdreg $0xC0  }
0xad: {  	_ =	task [dreg:s9], $0x5FFFF  }
0xae: {  	[dreg:$0x1] =	wrdreg $0xFFFFFFFF  }
0xaf: {  	[dreg:$0x0] =	wrdreg $0x60  }
0xb0: {  	[dreg:$0x2] =	wrdreg s2  }
0xb1: {  	[dreg:$0x3] =	wrdreg s18  }
0xb2: {  	[dreg:$0x4] =	wrdreg s4  }
0xb3: {  	[dreg:$0x5] =	wrdreg s24  }
0xb4: {  	[dreg:$0x6] =	wrdreg $0x9  }
0xb5: {  	_ =	task.clear_ibuf [dreg:s9], $0x7FFFF;
	_ =	strace $0x90000046  }
0xb6: {  	s29 =	simm.s32 $0x9;
	_ =	strace $0x80000048  }
0xb7: {  	_ =	swait.ge [sflag:s29], $0x1  }
0xb8: {  	[sflag:s29] =	ssyncadd.s32 $0xFFFFFFFF  }
0xb9: {  	_ =	strace $0x90000048  }
0xba: {  	_ =	sfence  }
0xbb: {  	s30 =	sld [smem:$0x0];
	_ =	sdelay $0x2  }
0xbc: {  	s31 =	sshll.u32 s1, $0xD;
	s1 =	sshrl.u32 s1, $0x2  }
0xbd: {  	s3 =	sand.u32 $0x4000, s31;
	s1 =	sadd.s32 s1, s30  }
0xbe: {  	s0 =	sor.u32 s3, s0;
	s1 =	sshll.u32 s1, $0x11  }
0xbf: {  	s0 =	sor.u32 s1, s0  }
0xc0: {  	s0 =	sadd.s32 $0x8F2B, s0  }
0xc1: {  	[sflag:s0] =	ssyncadd.remote.s32 $0x1  }
0xc2: {  	_ =	sfence.sel $0xFFFF  }
0xc3: {  	[dreg:$0x0] =	wrdreg $0xFFFFFFFF;
	(pc) =	sbr.abs _section_cstart, $3  }
0xc4: {  	[dreg:$0x1] =	wrdreg $0xFFFFFFFF  }
0xc5: {  	_ =	task.clear_ibuf [dreg:s9], $0x2FFFF;
	_ =	strace $0x9FFFFFFF  }
0xc6: {  	(tm) =	ssettm $0x7FFFFFFF  }
0xc7: {  	_ =	shalt  }
tec
execute0_lowered:
.L_overlay_start_1:
0x0: {  	(tag) =	ssettag $0x1  }
0x1: {  	s0 =	rddreg [dreg:$0x0]  }
0x2: {  	s1 =	rddreg [dreg:$0x1]  }
0x3: {  	s5 =	rddreg [dreg:$0x2]  }
0x4: {  	s6 =	rddreg [dreg:$0x3];
	s2 =	simm.s32 $0x0  }
0x5: {  	s3 =	srdreg.scid;
	s10 =	stileid.u32;
	s13 =	simm.s32 $0x180  }
0x6: {  	s14 =	simm.s32 $0x280;
	s28 =	simm.s32 $0x3;
	s29 =	simm.s32 $0x4  }
0x7: {  	s30 =	simm.s32 $0x5;
	s31 =	simm.s32 $0x6;
	[smem:$0x7FF] =	sst s2  }
0x8: {  	s7 =	sand.u32 $0x1, s3;
	s8 =	sshll.u32 s10, $0xB;
	s3 =	sadd.s32 $0xC00, s6  }
0x9: {  	s4 =	sadd.s32 $0xF43000, s6;
	s10 =	sshll.u32 s10, $0x7;
	_ =	strace $0x80000047  }
0xa: {  	s9 =	sshll.u32 s7, $0xA;
	s17 =	ssub.s32 $0x2, s7;
	s7 =	sshll.u32 s7, $0x6  }
0xb: {  	s8 =	sor.u32 s9, s8;
	s18 =	sshrl.u32 s17, $0x1;
	s7 =	sor.u32 s7, s10  }
0xc: {  	s6 =	sadd.s32 s8, s6;
	s8 =	ssub.s32 s17, s18;
	s19 =	sadd.s32 s0, s7  }
0xd: {  	s20 =	sor.u32 $0x10, s7;
	s10 =	sadd.s32 s1, s7;
	[dreg:$0x5] =	wrdreg s19  }
0xe: {  	s21 =	sadd.s32 s5, s7;
	s24 =	sor.u32 $0x20, s7;
	[dreg:$0x6] =	wrdreg s10  }
0xf: {  	s7 =	sor.u32 $0x30, s7;
	[dreg:$0x7] =	wrdreg s21;
	s22 =	sadd.s32 s0, s20  }
0x10: {  	s23 =	sadd.s32 s1, s20;
	s9 =	sadd.s32 s5, s20;
	s25 =	sadd.s32 s0, s24  }
0x11: {  	s26 =	sadd.s32 s1, s24;
	s0 =	sadd.s32 s0, s7;
	[dreg:$0x8] =	wrdreg s22  }
0x12: {  	s15 =	sadd.s32 s1, s7;
	s16 =	sadd.s32 s5, s7;
	[dreg:$0x9] =	wrdreg s23  }
0x13: {  	s17 =	sadd.s32 $0x1E85400, s6;
	s18 =	sadd.s32 $0x1E8D400, s6;
	[dreg:$0xa] =	wrdreg s9  }
0x14: {  	s19 =	smax.u32 s8, $0x1;
	s20 =	simm.s32 $0x7;
	[dreg:$0xb] =	wrdreg s25  }
0x15: {  	s21 =	simm.s32 $0x100;
	[dreg:$0xc] =	wrdreg s26;
	s9 =	sadd.s32 s5, s24  }
0x16: {  	[dreg:$0xe] =	wrdreg s0;
	s22 =	simm.s32 $0x200;
	s25 =	simm.s32 $0x1  }
0x17: {  	s26 =	simm.s32 $0x2;
	s0 =	simm.s32 $0x0;
	[dreg:$0xd] =	wrdreg s9  }
.LBB2_1:
0x18: {  	s1 =	rddreg [dreg:$0x5]  }
0x19: {  	[tilespmem:s2], [sflag:$0x7] =	stream.linear.gather [hbm4b:s1+s2], $0x80, $0x38;
	[tilespmem:$0x1C300] =	vst v63  }
0x1a: {  	_ =	swait.ge [sflag:s20], $0x80  }
0x1b: {  	[sflag:s20] =	ssyncset.done $0x0  }
0x1c: {  	s10 =	rddreg [dreg:$0x6];
	[sflag:s20] =	ssyncadd.s32 $0xFFFFFF80  }
0x1d: {  	[tilespmem:s21], [sflag:$0x7] =	stream.linear.gather [hbm4b:s10+s2], $0x80, $0x38;
	[tilespmem:$0x1C300] =	vst v63  }
0x1e: {  	_ =	swait.ge [sflag:s20], $0x80  }
0x1f: {  	[sflag:s20] =	ssyncset.done $0x0  }
0x20: {  	v0 =	vmov s2;
	s11 =	rddreg [dreg:$0x7];
	[sflag:s20] =	ssyncadd.s32 $0xFFFFFF80  }
0x21: {  	[tilespmem:s22], [sflag:$0x7] =	stream.linear.gather [hbm4b:s11+s2], $0x80, $0x38;
	[tilespmem:$0x1C300] =	vst v63  }
0x22: {  	_ =	swait.ge [sflag:s20], $0x80  }
0x23: {  	[sflag:s20] =	ssyncset.done $0x0  }
0x24: {  	[sflag:s20] =	ssyncadd.s32 $0xFFFFFF80  }
0x25: {  	v1 =	vld.idx.msk [tilespmem:v0+s2+$0x0], $0xffff  }
0x26: {  	v2 =	vld.idx.msk [tilespmem:v0+s21+$0x0], $0xffff  }
0x27: {  	v0 =	vld.idx.msk [tilespmem:v0+s22+$0x0], $0xffff;
	_ =	sdelay $0x2  }
0x28: {  	v1 =	vxor.u32 $0x80000000, v1  }
0x29: {  	v2 =	vxor.u32 $0x80000000, v2;
	(xrf0) =	vmax.scan.msk.u32 $0xffff, v1  }
0x2a: {  	v0 =	vxor.u32 $0x80000000, v0;
	(xrf0) =	vmax.scan.msk.u32 $0xffff, v2  }
0x2b: {  	(xrf0) =	vmax.scan.msk.u32 $0xffff, v0;
	_ =	sdelay $0x3  }
0x2c: {  	v0, _, _ =	vpop (xrf0)  }
0x2d: {  	(v2sf) =	vpush v0, $0xF;
	v0, _, _ =	vpop (xrf0)  }
0x2e: {  	(v2sf) =	vpush v0, $0xF;
	v0, _, _ =	vpop (xrf0)  }
0x2f: {  	(v2sf) =	vpush v0, $0xF;
	_ =	sdelay $0xa  }
0x30: {  	s12 =	simm.s32 $0x300  }
0x31: {  	s7 =	simm.s32 $0x8300;
	s23 =	simm.s32 $0x10300;
	s6 =	simm.s32 $0x1  }
0x32: {  	s8 =	simm.s32 $0x2;
	s1 =	simm.s32 $0x10380;
	s5 =	spop (v2sf)  }
0x33: {  	v0 =	vmov s6;
	s6 =	simm.s32 $0x380;
	s5 =	sshll.u32 s5, $0x4;
	s9 =	spop (v2sf)  }
0x34: {  	s5 =	sand.u32 $0x1FFFFFF0, s5;
	s9 =	sshll.u32 s9, $0x4;
	s10 =	spop (v2sf)  }
0x35: {  	s9 =	sand.u32 $0x1FFFFFF0, s9;
	s5 =	sadd.s32 s3, s5;
	s24 =	sshll.u32 s10, $0x4  }
0x36: {  	[tilespmem:s12], [sflag:$0x1] =	stream.linear.gather [hbm4b:s5+s2], $0x80, $0x38;
	[tilespmem:$0x1C300] =	vst v63  }
0x37: {  	s9 =	sadd.s32 s4, s9;
	s10 =	sand.u32 $0x1FFFFFF0, s24;
	s5 =	simm.s32 $0x8380  }
.LBB2_2:
0x38: {  	[tilespmem:s7], [sflag:$0x2] =	stream.linear.gather [hbm4b:s9+s2], $0x80, $0x38;
	[tilespmem:$0x1C300] =	vst v63  }
0x39: {  	s9 =	smov.u32 s8;
	s7 =	smov.u32 s5  }
0x3a: {  	p0 =	sne.s32 s8, $0x7F;
	s8 =	sadd.s32 $0x1, s8;
	s10 =	sadd.s32 s4, s10  }
0x3b: {  	[tilespmem:s23], [sflag:$0x3] =	stream.linear.gather [hbm4b:s10+s2], $0x80, $0x38;
	[tilespmem:$0x1C300] =	vst v63  }
0x3c: {  	s23 =	smov.u32 s1;
	v1 =	vld.idx.msk [tilespmem:v0+s2+$0x0], $0xffff  }
0x3d: {  	v2 =	vld.idx.msk [tilespmem:v0+s21+$0x0], $0xffff;
	_ =	sdelay $0x1  }
0x3e: {  	v0 =	vld.idx.msk [tilespmem:v0+s22+$0x0], $0xffff;
	_ =	sdelay $0x2  }
0x3f: {  	v1 =	vxor.u32 $0x80000000, v1  }
0x40: {  	v2 =	vxor.u32 $0x80000000, v2;
	(xrf0) =	vmax.scan.msk.u32 $0xffff, v1  }
0x41: {  	(xrf0) =	vmax.scan.msk.u32 $0xffff, v2  }
0x42: {  	v0 =	vxor.u32 $0x80000000, v0  }
0x43: {  	(xrf0) =	vmax.scan.msk.u32 $0xffff, v0;
	_ =	sdelay $0x2  }
0x44: {  	v0, _, _ =	vpop (xrf0)  }
0x45: {  	(v2sf) =	vpush v0, $0xF;
	v0, _, _ =	vpop (xrf0)  }
0x46: {  	(v2sf) =	vpush v0, $0xF  }
0x47: {  	v0, _, _ =	vpop (xrf0)  }
0x48: {  	(v2sf) =	vpush v0, $0xF;
	_ =	sdelay $0xb  }
0x49: {  	s10 =	spop (v2sf)  }
0x4a: {  	s10 =	sshll.u32 s10, $0x4;
	s11 =	spop (v2sf)  }
.Ltmp0:
0x4b: {  	s10 =	sand.u32 $0x1FFFFFF0, s10;
	s11 =	sshll.u32 s11, $0x4;
	(pc) =	sbr.rel @p0 .LBB2_2-.Ltmp0, $4  }
0x4c: {  	s1 =	sadd.s32 $0x80, s1;
	s11 =	sand.u32 $0x1FFFFFF0, s11;
	s24 =	spop (v2sf)  }
0x4d: {  	v0 =	vmov s9;
	s10 =	sadd.s32 s3, s10;
	s9 =	sadd.s32 s4, s11;
	s11 =	sshll.u32 s24, $0x4  }
0x4e: {  	[tilespmem:s6], [sflag:$0x1] =	stream.linear.gather [hbm4b:s10+s2], $0x80, $0x38;
	[tilespmem:$0x1C300] =	vst v63  }
0x4f: {  	s5 =	sadd.s32 $0x80, s5;
	s10 =	sand.u32 $0x1FFFFFF0, s11;
	s6 =	sadd.s32 $0x80, s6  }
0x50: {  	_ = 	snop  }
0x51: {  	[tilespmem:s7], [sflag:$0x2] =	stream.linear.gather [hbm4b:s9+s2], $0x80, $0x38;
	[tilespmem:$0x1C300] =	vst v63  }
0x52: {  	s9 =	sadd.s32 s4, s10  }
0x53: {  	[tilespmem:s23], [sflag:$0x3] =	stream.linear.gather [hbm4b:s9+s2], $0x80, $0x38;
	[tilespmem:$0x1C300] =	vst v63  }
0x54: {  	v1 =	vld.idx.msk [tilespmem:v0+s2+$0x0], $0xffff  }
0x55: {  	v2 =	vld.idx.msk [tilespmem:v0+s21+$0x0], $0xffff  }
0x56: {  	v0 =	vld.idx.msk [tilespmem:v0+s22+$0x0], $0xffff;
	_ =	sdelay $0x2  }
0x57: {  	v1 =	vxor.u32 $0x80000000, v1  }
0x58: {  	v2 =	vxor.u32 $0x80000000, v2;
	(xrf0) =	vmax.scan.msk.u32 $0xffff, v1  }
0x59: {  	v0 =	vxor.u32 $0x80000000, v0;
	(xrf0) =	vmax.scan.msk.u32 $0xffff, v2  }
0x5a: {  	(xrf0) =	vmax.scan.msk.u32 $0xffff, v0;
	_ =	sdelay $0x3  }
0x5b: {  	v0, _, _ =	vpop (xrf0)  }
0x5c: {  	(v2sf) =	vpush v0, $0xF;
	v0, _, _ =	vpop (xrf0)  }
0x5d: {  	(v2sf) =	vpush v0, $0xF;
	v0, _, _ =	vpop (xrf0)  }
0x5e: {  	(v2sf) =	vpush v0, $0xF;
	_ =	sdelay $0xc  }
0x5f: {  	s10 =	spop (v2sf)  }
0x60: {  	s7 =	sshll.u32 s10, $0x4;
	s8 =	spop (v2sf)  }
0x61: {  	s7 =	sand.u32 $0x1FFFFFF0, s7;
	s8 =	sshll.u32 s8, $0x4;
	s11 =	spop (v2sf)  }
0x62: {  	s8 =	sand.u32 $0x1FFFFFF0, s8;
	s7 =	sadd.s32 s3, s7;
	s9 =	sshll.u32 s11, $0x4  }
0x63: {  	[tilespmem:s6], [sflag:$0x1] =	stream.linear.gather [hbm4b:s7+s2], $0x80, $0x38;
	[tilespmem:$0x1C300] =	vst v63  }
0x64: {  	s12 =	sadd.s32 s4, s8;
	s23 =	sand.u32 $0x1FFFFFF0, s9  }
0x65: {  	[tilespmem:s5], [sflag:$0x2] =	stream.linear.gather [hbm4b:s12+s2], $0x80, $0x38;
	[tilespmem:$0x1C300] =	vst v63  }
0x66: {  	s24 =	sadd.s32 s4, s23  }
0x67: {  	[tilespmem:s1], [sflag:$0x3] =	stream.linear.gather [hbm4b:s24+s2], $0x80, $0x38;
	[tilespmem:$0x1C300] =	vst v63  }
0x68: {  	s6 =	simm.s32 $0x80;
	s7 =	rddreg [dreg:$0x8]  }
0x69: {  	[tilespmem:s6], [sflag:$0x7] =	stream.linear.gather [hbm4b:s7+s2], $0x80, $0x38;
	[tilespmem:$0x1C300] =	vst v63  }
0x6a: {  	_ =	swait.ge [sflag:s20], $0x80  }
0x6b: {  	[sflag:s20] =	ssyncset.done $0x0  }
0x6c: {  	s8 =	rddreg [dreg:$0x9];
	[sflag:s20] =	ssyncadd.s32 $0xFFFFFF80  }
0x6d: {  	[tilespmem:s13], [sflag:$0x7] =	stream.linear.gather [hbm4b:s8+s2], $0x80, $0x38;
	[tilespmem:$0x1C300] =	vst v63  }
0x6e: {  	_ =	swait.ge [sflag:s20], $0x80  }
0x6f: {  	[sflag:s20] =	ssyncset.done $0x0  }
0x70: {  	v0 =	vmov s6;
	s9 =	rddreg [dreg:$0xa];
	[sflag:s20] =	ssyncadd.s32 $0xFFFFFF80  }
0x71: {  	[tilespmem:s14], [sflag:$0x7] =	stream.linear.gather [hbm4b:s9+s2], $0x80, $0x38;
	[tilespmem:$0x1C300] =	vst v63  }
0x72: {  	_ =	swait.ge [sflag:s20], $0x80  }
0x73: {  	[sflag:s20] =	ssyncset.done $0x0  }
0x74: {  	[sflag:s20] =	ssyncadd.s32 $0xFFFFFF80  }
0x75: {  	v1 =	vld.idx.msk [tilespmem:v0+s2+$0x0], $0xffff  }
0x76: {  	v2 =	vld.idx.msk [tilespmem:v0+s21+$0x0], $0xffff  }
0x77: {  	v0 =	vld.idx.msk [tilespmem:v0+s22+$0x0], $0xffff;
	_ =	sdelay $0x2  }
0x78: {  	v1 =	vxor.u32 $0x80000000, v1  }
0x79: {  	v2 =	vxor.u32 $0x80000000, v2;
	(xrf0) =	vmax.scan.msk.u32 $0xffff, v1  }
0x7a: {  	v0 =	vxor.u32 $0x80000000, v0;
	(xrf0) =	vmax.scan.msk.u32 $0xffff, v2  }
0x7b: {  	(xrf0) =	vmax.scan.msk.u32 $0xffff, v0;
	_ =	sdelay $0x3  }
0x7c: {  	v0, _, _ =	vpop (xrf0)  }
0x7d: {  	(v2sf) =	vpush v0, $0xF;
	v0, _, _ =	vpop (xrf0)  }
0x7e: {  	(v2sf) =	vpush v0, $0xF;
	v0, _, _ =	vpop (xrf0)  }
0x7f: {  	(v2sf) =	vpush v0, $0xF;
	_ =	sdelay $0xa  }
0x80: {  	s10 =	simm.s32 $0x4300  }
0x81: {  	s23 =	simm.s32 $0x14300;
	s12 =	simm.s32 $0x81;
	s1 =	simm.s32 $0x14380  }
0x82: {  	s7 =	simm.s32 $0xC300;
	s6 =	simm.s32 $0x4380;
	s11 =	spop (v2sf)  }
0x83: {  	s8 =	simm.s32 $0x82;
	s5 =	sshll.u32 s11, $0x4;
	s13 =	spop (v2sf)  }
0x84: {  	s5 =	sand.u32 $0x1FFFFFF0, s5;
	s9 =	sshll.u32 s13, $0x4;
	s14 =	spop (v2sf)  }
0x85: {  	s9 =	sand.u32 $0x1FFFFFF0, s9;
	s5 =	sadd.s32 s3, s5;
	s24 =	sshll.u32 s14, $0x4  }
0x86: {  	[tilespmem:s10], [sflag:$0x4] =	stream.linear.gather [hbm4b:s5+s2], $0x80, $0x38;
	[tilespmem:$0x1C300] =	vst v63  }
0x87: {  	v0 =	vmov s12;
	s9 =	sadd.s32 s4, s9;
	s10 =	sand.u32 $0x1FFFFFF0, s24;
	s5 =	simm.s32 $0xC380  }
.LBB2_4:
0x88: {  	[tilespmem:s7], [sflag:$0x5] =	stream.linear.gather [hbm4b:s9+s2], $0x80, $0x38;
	[tilespmem:$0x1C300] =	vst v63  }
0x89: {  	s9 =	smov.u32 s8;
	s7 =	smov.u32 s5  }
0x8a: {  	p0 =	sne.s32 s8, $0xFF;
	s8 =	sadd.s32 $0x1, s8;
	s10 =	sadd.s32 s4, s10  }
0x8b: {  	[tilespmem:s23], [sflag:$0x6] =	stream.linear.gather [hbm4b:s10+s2], $0x80, $0x38;
	[tilespmem:$0x1C300] =	vst v63  }
0x8c: {  	s23 =	smov.u32 s1;
	v1 =	vld.idx.msk [tilespmem:v0+s2+$0x0], $0xffff  }
0x8d: {  	v2 =	vld.idx.msk [tilespmem:v0+s21+$0x0], $0xffff;
	_ =	sdelay $0x1  }
0x8e: {  	v0 =	vld.idx.msk [tilespmem:v0+s22+$0x0], $0xffff;
	_ =	sdelay $0x2  }
0x8f: {  	v1 =	vxor.u32 $0x80000000, v1  }
0x90: {  	v2 =	vxor.u32 $0x80000000, v2;
	(xrf0) =	vmax.scan.msk.u32 $0xffff, v1  }
0x91: {  	(xrf0) =	vmax.scan.msk.u32 $0xffff, v2  }
0x92: {  	v0 =	vxor.u32 $0x80000000, v0  }
0x93: {  	(xrf0) =	vmax.scan.msk.u32 $0xffff, v0;
	_ =	sdelay $0x2  }
0x94: {  	v0, _, _ =	vpop (xrf0)  }
0x95: {  	(v2sf) =	vpush v0, $0xF;
	v0, _, _ =	vpop (xrf0)  }
0x96: {  	(v2sf) =	vpush v0, $0xF  }
0x97: {  	v0, _, _ =	vpop (xrf0)  }
0x98: {  	(v2sf) =	vpush v0, $0xF;
	_ =	sdelay $0xb  }
0x99: {  	s10 =	spop (v2sf)  }
0x9a: {  	s10 =	sshll.u32 s10, $0x4;
	s11 =	spop (v2sf)  }
.Ltmp1:
0x9b: {  	s10 =	sand.u32 $0x1FFFFFF0, s10;
	s11 =	sshll.u32 s11, $0x4;
	(pc) =	sbr.rel @p0 .LBB2_4-.Ltmp1, $4  }
0x9c: {  	s1 =	sadd.s32 $0x80, s1;
	s11 =	sand.u32 $0x1FFFFFF0, s11;
	s24 =	spop (v2sf)  }
0x9d: {  	v0 =	vmov s9;
	s10 =	sadd.s32 s3, s10;
	s9 =	sadd.s32 s4, s11;
	s11 =	sshll.u32 s24, $0x4  }
0x9e: {  	[tilespmem:s6], [sflag:$0x4] =	stream.linear.gather [hbm4b:s10+s2], $0x80, $0x38;
	[tilespmem:$0x1C300] =	vst v63  }
0x9f: {  	s5 =	sadd.s32 $0x80, s5;
	s10 =	sand.u32 $0x1FFFFFF0, s11;
	s6 =	sadd.s32 $0x80, s6  }
0xa0: {  	_ = 	snop  }
0xa1: {  	[tilespmem:s7], [sflag:$0x5] =	stream.linear.gather [hbm4b:s9+s2], $0x80, $0x38;
	[tilespmem:$0x1C300] =	vst v63  }
0xa2: {  	s11 =	sadd.s32 s4, s10  }
0xa3: {  	[tilespmem:s23], [sflag:$0x6] =	stream.linear.gather [hbm4b:s11+s2], $0x80, $0x38;
	[tilespmem:$0x1C300] =	vst v63  }
0xa4: {  	v1 =	vld.idx.msk [tilespmem:v0+s2+$0x0], $0xffff  }
0xa5: {  	v2 =	vld.idx.msk [tilespmem:v0+s21+$0x0], $0xffff  }
0xa6: {  	v60 =	vld.idx.msk [tilespmem:v0+s22+$0x0], $0xffff;
	_ =	sdelay $0x2  }
0xa7: {  	v1 =	vxor.u32 $0x80000000, v1  }
0xa8: {  	v2 =	vxor.u32 $0x80000000, v2;
	(xrf0) =	vmax.scan.msk.u32 $0xffff, v1  }
0xa9: {  	v0 =	vxor.u32 $0x80000000, v60;
	(xrf0) =	vmax.scan.msk.u32 $0xffff, v2  }
0xaa: {  	(xrf0) =	vmax.scan.msk.u32 $0xffff, v0;
	_ =	sdelay $0x3  }
0xab: {  	v61, _, _ =	vpop (xrf0)  }
0xac: {  	(v2sf) =	vpush v61, $0xF;
	v62, _, _ =	vpop (xrf0)  }
0xad: {  	(v2sf) =	vpush v62, $0xF;
	v63, _, _ =	vpop (xrf0)  }
0xae: {  	(v2sf) =	vpush v63, $0xF;
	_ =	sdelay $0xc  }
0xaf: {  	s12 =	spop (v2sf)  }
0xb0: {  	s7 =	sshll.u32 s12, $0x4;
	s8 =	spop (v2sf)  }
0xb1: {  	s7 =	sand.u32 $0x1FFFFFF0, s7;
	s8 =	sshll.u32 s8, $0x4;
	s13 =	spop (v2sf)  }
0xb2: {  	s8 =	sand.u32 $0x1FFFFFF0, s8;
	s7 =	sadd.s32 s3, s7;
	s9 =	sshll.u32 s13, $0x4  }
0xb3: {  	[tilespmem:s6], [sflag:$0x4] =	stream.linear.gather [hbm4b:s7+s2], $0x80, $0x38;
	[tilespmem:$0x1C300] =	vst v63  }
0xb4: {  	s14 =	sadd.s32 s4, s8;
	s23 =	sand.u32 $0x1FFFFFF0, s9  }
0xb5: {  	[tilespmem:s5], [sflag:$0x5] =	stream.linear.gather [hbm4b:s14+s2], $0x80, $0x38;
	[tilespmem:$0x1C300] =	vst v63  }
0xb6: {  	s24 =	sadd.s32 s4, s23  }
0xb7: {  	[tilespmem:s1], [sflag:$0x6] =	stream.linear.gather [hbm4b:s24+s2], $0x80, $0x38;
	[tilespmem:$0x1C300] =	vst v63  }
0xb8: {  	_ =	swait.ge [sflag:s25], $0x80  }
0xb9: {  	[sflag:s25] =	ssyncset.done $0x0  }
0xba: {  	[sflag:s25] =	ssyncadd.s32 $0xFFFFFF80  }
0xbb: {  	_ =	swait.ge [sflag:s26], $0x80  }
0xbc: {  	[sflag:s26] =	ssyncset.done $0x0  }
0xbd: {  	[sflag:s26] =	ssyncadd.s32 $0xFFFFFF80  }
0xbe: {  	_ =	swait.ge [sflag:s28], $0x80  }
0xbf: {  	s1 =	simm.s32 $0x7F;
	[sflag:s28] =	ssyncset.done $0x0  }
.LBB2_6:
0xc0: {  	p0 =	sne.s32 s1, $0x1;
	s1 =	sadd.s32 $0xFFFFFFFF, s1;
	[sflag:s28] =	ssyncadd.s32 $0xFFFFFF80  }
0xc1: {  	_ =	swait.ge [sflag:s25], $0x80  }
0xc2: {  	[sflag:s25] =	ssyncset.done $0x0  }
0xc3: {  	[sflag:s25] =	ssyncadd.s32 $0xFFFFFF80  }
.Ltmp2:
0xc4: {  	_ =	swait.ge [sflag:s26], $0x80;
	(pc) =	sbr.rel @p0 .LBB2_6-.Ltmp2, $4  }
0xc5: {  	[sflag:s26] =	ssyncset.done $0x0  }
0xc6: {  	[sflag:s26] =	ssyncadd.s32 $0xFFFFFF80  }
0xc7: {  	_ =	swait.ge [sflag:s28], $0x80  }
0xc8: {  	[sflag:s28] =	ssyncset.done $0x0  }
0xc9: {  	[sflag:s28] =	ssyncadd.s32 $0xFFFFFF80;
	s1 =	simm.s32 $0x0  }
0xca: {  	v0 =	vld [tilespmem:s1+$0x8330]  }
0xcb: {  	v1 =	vld [tilespmem:s1+$0x8320]  }
0xcc: {  	v2 =	vld [tilespmem:s1+$0x10300]  }
0xcd: {  	v3 =	vld [tilespmem:s1+$0x8300]  }
0xce: {  	v4 =	vld [tilespmem:s1+$0x8310]  }
0xcf: {  	v5 =	vld [tilespmem:s1+$0x300]  }
0xd0: {  	v6 =	vld [tilespmem:s1+$0x310]  }
0xd1: {  	v7 =	vld [tilespmem:s1+$0x10310]  }
0xd2: {  	v8 =	vld [tilespmem:s1+$0x320]  }
0xd3: {  	v9 =	vld [tilespmem:s1+$0x10320]  }
0xd4: {  	v10 =	vld [tilespmem:s1+$0x330]  }
0xd5: {  	v11 =	vld [tilespmem:s1+$0x10330];
	v3 =	vmul.f32 v3, v5;
	v4 =	vmul.f32 v4, v6  }
0xd6: {  	v2 =	vmul.f32 v2, v5;
	v5 =	vmul.f32 v7, v6  }
0xd7: {  	v1 =	vmul.f32 v1, v8;
	v3 =	vadd.f32 v4, v3  }
0xd8: {  	v2 =	vadd.f32 v5, v2;
	v4 =	vmul.f32 v9, v8  }
0xd9: {  	v0 =	vmul.f32 v0, v10;
	v1 =	vadd.f32 v1, v3  }
0xda: {  	v2 =	vadd.f32 v4, v2;
	v3 =	vmul.f32 v11, v10  }
0xdb: {  	v0 =	vadd.f32 v0, v1  }
0xdc: {  	s1 =	simm.s32 $0x18300;
	v1 =	vadd.f32 v3, v2  }
0xdd: {  	s5 =	simm.s32 $0x1A300;
	[tilespmem:s1+$0x0] =	vst v0  }
0xde: {  	s7 =	simm.s32 $0x80;
	[tilespmem:s5+$0x0] =	vst v1  }
0xdf: {  	v0 =	vld [tilespmem:s7+$0x8330]  }
0xe0: {  	v1 =	vld [tilespmem:s7+$0x8320]  }
0xe1: {  	v2 =	vld [tilespmem:s7+$0x10300]  }
0xe2: {  	v3 =	vld [tilespmem:s7+$0x8300]  }
0xe3: {  	v5 =	vld [tilespmem:s7+$0x8310]  }
0xe4: {  	v4 =	vld [tilespmem:s7+$0x300]  }
0xe5: {  	s6 =	simm.s32 $0x400;
	v6 =	vld [tilespmem:s7+$0x310]  }
.LBB2_8:
0xe6: {  	p0 =	sne.s32 s6, $0xFE00;
	v7 =	vld [tilespmem:s7+$0x10310]  }
0xe7: {  	v8 =	vld [tilespmem:s7+$0x320]  }
0xe8: {  	v9 =	vld [tilespmem:s7+$0x10320]  }
0xe9: {  	v10 =	vld [tilespmem:s7+$0x330]  }
0xea: {  	v3 =	vmul.f32 v3, v4;
	v11 =	vld [tilespmem:s7+$0x10330];
	v5 =	vmul.f32 v5, v6  }
0xeb: {  	v2 =	vmul.f32 v2, v4;
	v4 =	vmul.f32 v7, v6  }
0xec: {  	v3 =	vadd.f32 v5, v3;
	v1 =	vmul.f32 v1, v8  }
0xed: {  	v2 =	vadd.f32 v4, v2;
	v4 =	vmul.f32 v9, v8  }
0xee: {  	v1 =	vadd.f32 v1, v3;
	v0 =	vmul.f32 v0, v10  }
0xef: {  	v2 =	vadd.f32 v4, v2;
	v3 =	vmul.f32 v11, v10  }
0xf0: {  	v0 =	vadd.f32 v0, v1  }
0xf1: {  	s1 =	sadd.s32 $0x10, s1;
	v1 =	vadd.f32 v3, v2  }
0xf2: {  	s5 =	sadd.s32 $0x10, s5;
	[tilespmem:s1+$0x0] =	vst v0  }
0xf3: {  	s7 =	sshra.s32 s6, $0x2;
	[tilespmem:s5+$0x0] =	vst v1  }
0xf4: {  	v0 =	vld [tilespmem:s7+$0x8330]  }
0xf5: {  	v1 =	vld [tilespmem:s7+$0x8320]  }
.Ltmp3:
0xf6: {  	v2 =	vld [tilespmem:s7+$0x10300];
	(pc) =	sbr.rel @p0 .LBB2_8-.Ltmp3, $4  }
0xf7: {  	v3 =	vld [tilespmem:s7+$0x8300]  }
0xf8: {  	v5 =	vld [tilespmem:s7+$0x8310]  }
0xf9: {  	v4 =	vld [tilespmem:s7+$0x300]  }
0xfa: {  	s6 =	sadd.s32 $0x200, s6;
	v6 =	vld [tilespmem:s7+$0x310]  }
0xfb: {  	v7 =	vld [tilespmem:s7+$0x10310]  }
0xfc: {  	v8 =	vld [tilespmem:s7+$0x320]  }
0xfd: {  	v9 =	vld [tilespmem:s7+$0x10320]  }
0xfe: {  	v10 =	vld [tilespmem:s7+$0x330]  }
0xff: {  	v11 =	vld [tilespmem:s7+$0x10330];
	v3 =	vmul.f32 v3, v4;
	v5 =	vmul.f32 v5, v6  }
0x100: {  	v2 =	vmul.f32 v2, v4;
	v62 =	vmul.f32 v7, v6  }
0x101: {  	v1 =	vmul.f32 v1, v8;
	v3 =	vadd.f32 v5, v3  }
0x102: {  	v63 =	vmul.f32 v9, v8;
	v2 =	vadd.f32 v62, v2  }
0x103: {  	v0 =	vmul.f32 v0, v10;
	v1 =	vadd.f32 v1, v3  }
0x104: {  	v3 =	vmul.f32 v11, v10;
	v2 =	vadd.f32 v63, v2  }
0x105: {  	v0 =	vadd.f32 v0, v1  }
0x106: {  	s1 =	sadd.s32 $0x10, s1;
	v1 =	vadd.f32 v3, v2  }
0x107: {  	s8 =	sadd.s32 $0x10, s5;
	[tilespmem:s1+$0x0] =	vst v0  }
0x108: {  	s9 =	simm.s32 $0x0;
	s10 =	rddreg [dreg:$0xb];
	[tilespmem:s8+$0x0] =	vst v1  }
0x109: {  	[tilespmem:s9], [sflag:$0x7] =	stream.linear.gather [hbm4b:s10+s9], $0x80, $0x38;
	[tilespmem:$0x1C300] =	vst v63  }
0x10a: {  	_ =	swait.ge [sflag:s20], $0x80  }
0x10b: {  	[sflag:s20] =	ssyncset.done $0x0  }
0x10c: {  	s11 =	rddreg [dreg:$0xc];
	[sflag:s20] =	ssyncadd.s32 $0xFFFFFF80  }
0x10d: {  	[tilespmem:s21], [sflag:$0x7] =	stream.linear.gather [hbm4b:s11+s9], $0x80, $0x38;
	[tilespmem:$0x1C300] =	vst v63  }
0x10e: {  	_ =	swait.ge [sflag:s20], $0x80  }
0x10f: {  	[sflag:s20] =	ssyncset.done $0x0  }
0x110: {  	v0 =	vmov s9;
	s12 =	rddreg [dreg:$0xd];
	[sflag:s20] =	ssyncadd.s32 $0xFFFFFF80  }
0x111: {  	[tilespmem:s22], [sflag:$0x7] =	stream.linear.gather [hbm4b:s12+s9], $0x80, $0x38;
	[tilespmem:$0x1C300] =	vst v63  }
0x112: {  	_ =	swait.ge [sflag:s20], $0x80  }
0x113: {  	[sflag:s20] =	ssyncset.done $0x0  }
0x114: {  	[sflag:s20] =	ssyncadd.s32 $0xFFFFFF80  }
0x115: {  	v1 =	vld.idx.msk [tilespmem:v0+s2+$0x0], $0xffff  }
0x116: {  	v2 =	vld.idx.msk [tilespmem:v0+s21+$0x0], $0xffff  }
0x117: {  	v0 =	vld.idx.msk [tilespmem:v0+s22+$0x0], $0xffff;
	_ =	sdelay $0x2  }
0x118: {  	v1 =	vxor.u32 $0x80000000, v1  }
0x119: {  	v2 =	vxor.u32 $0x80000000, v2;
	(xrf0) =	vmax.scan.msk.u32 $0xffff, v1  }
0x11a: {  	v0 =	vxor.u32 $0x80000000, v0;
	(xrf0) =	vmax.scan.msk.u32 $0xffff, v2  }
0x11b: {  	(xrf0) =	vmax.scan.msk.u32 $0xffff, v0;
	_ =	sdelay $0x3  }
0x11c: {  	v0, _, _ =	vpop (xrf0)  }
0x11d: {  	(v2sf) =	vpush v0, $0xF;
	v0, _, _ =	vpop (xrf0)  }
0x11e: {  	(v2sf) =	vpush v0, $0xF;
	v0, _, _ =	vpop (xrf0)  }
0x11f: {  	(v2sf) =	vpush v0, $0xF;
	_ =	sdelay $0xa  }
0x120: {  	s13 =	simm.s32 $0x300  }
0x121: {  	s7 =	simm.s32 $0x8300;
	s23 =	simm.s32 $0x10300;
	s6 =	simm.s32 $0x1  }
0x122: {  	s1 =	simm.s32 $0x10380;
	s8 =	simm.s32 $0x2;
	s14 =	spop (v2sf)  }
0x123: {  	v0 =	vmov s6;
	s6 =	simm.s32 $0x380;
	s5 =	sshll.u32 s14, $0x4;
	s9 =	spop (v2sf)  }
0x124: {  	s5 =	sand.u32 $0x1FFFFFF0, s5;
	s9 =	sshll.u32 s9, $0x4;
	s10 =	spop (v2sf)  }
0x125: {  	s9 =	sand.u32 $0x1FFFFFF0, s9;
	s5 =	sadd.s32 s3, s5;
	s24 =	sshll.u32 s10, $0x4  }
0x126: {  	[tilespmem:s13], [sflag:$0x1] =	stream.linear.gather [hbm4b:s5+s2], $0x80, $0x38;
	[tilespmem:$0x1C300] =	vst v63  }
0x127: {  	s9 =	sadd.s32 s4, s9;
	s10 =	sand.u32 $0x1FFFFFF0, s24;
	s5 =	simm.s32 $0x8380  }
.LBB2_10:
0x128: {  	[tilespmem:s7], [sflag:$0x2] =	stream.linear.gather [hbm4b:s9+s2], $0x80, $0x38;
	[tilespmem:$0x1C300] =	vst v63  }
0x129: {  	s9 =	smov.u32 s8;
	s7 =	smov.u32 s5  }
0x12a: {  	p0 =	sne.s32 s8, $0x7F;
	s8 =	sadd.s32 $0x1, s8;
	s10 =	sadd.s32 s4, s10  }
0x12b: {  	[tilespmem:s23], [sflag:$0x3] =	stream.linear.gather [hbm4b:s10+s2], $0x80, $0x38;
	[tilespmem:$0x1C300] =	vst v63  }
0x12c: {  	s23 =	smov.u32 s1;
	v1 =	vld.idx.msk [tilespmem:v0+s2+$0x0], $0xffff  }
0x12d: {  	v2 =	vld.idx.msk [tilespmem:v0+s21+$0x0], $0xffff;
	_ =	sdelay $0x1  }
0x12e: {  	v0 =	vld.idx.msk [tilespmem:v0+s22+$0x0], $0xffff;
	_ =	sdelay $0x2  }
0x12f: {  	v1 =	vxor.u32 $0x80000000, v1  }
0x130: {  	v2 =	vxor.u32 $0x80000000, v2;
	(xrf0) =	vmax.scan.msk.u32 $0xffff, v1  }
0x131: {  	(xrf0) =	vmax.scan.msk.u32 $0xffff, v2  }
0x132: {  	v0 =	vxor.u32 $0x80000000, v0  }
0x133: {  	(xrf0) =	vmax.scan.msk.u32 $0xffff, v0;
	_ =	sdelay $0x2  }
0x134: {  	v0, _, _ =	vpop (xrf0)  }
0x135: {  	(v2sf) =	vpush v0, $0xF;
	v0, _, _ =	vpop (xrf0)  }
0x136: {  	(v2sf) =	vpush v0, $0xF  }
0x137: {  	v0, _, _ =	vpop (xrf0)  }
0x138: {  	(v2sf) =	vpush v0, $0xF;
	_ =	sdelay $0xb  }
0x139: {  	s10 =	spop (v2sf)  }
0x13a: {  	s10 =	sshll.u32 s10, $0x4;
	s11 =	spop (v2sf)  }
.Ltmp4:
0x13b: {  	s10 =	sand.u32 $0x1FFFFFF0, s10;
	s11 =	sshll.u32 s11, $0x4;
	(pc) =	sbr.rel @p0 .LBB2_10-.Ltmp4, $4  }
0x13c: {  	s1 =	sadd.s32 $0x80, s1;
	s11 =	sand.u32 $0x1FFFFFF0, s11;
	s24 =	spop (v2sf)  }
0x13d: {  	v0 =	vmov s9;
	s10 =	sadd.s32 s3, s10;
	s9 =	sadd.s32 s4, s11;
	s11 =	sshll.u32 s24, $0x4  }
0x13e: {  	[tilespmem:s6], [sflag:$0x1] =	stream.linear.gather [hbm4b:s10+s2], $0x80, $0x38;
	[tilespmem:$0x1C300] =	vst v63  }
0x13f: {  	s5 =	sadd.s32 $0x80, s5;
	s10 =	sand.u32 $0x1FFFFFF0, s11;
	s6 =	sadd.s32 $0x80, s6  }
0x140: {  	_ = 	snop  }
0x141: {  	[tilespmem:s7], [sflag:$0x2] =	stream.linear.gather [hbm4b:s9+s2], $0x80, $0x38;
	[tilespmem:$0x1C300] =	vst v63  }
0x142: {  	s11 =	sadd.s32 s4, s10  }
0x143: {  	[tilespmem:s23], [sflag:$0x3] =	stream.linear.gather [hbm4b:s11+s2], $0x80, $0x38;
	[tilespmem:$0x1C300] =	vst v63  }
0x144: {  	v1 =	vld.idx.msk [tilespmem:v0+s2+$0x0], $0xffff  }
0x145: {  	v2 =	vld.idx.msk [tilespmem:v0+s21+$0x0], $0xffff  }
0x146: {  	v60 =	vld.idx.msk [tilespmem:v0+s22+$0x0], $0xffff;
	_ =	sdelay $0x2  }
0x147: {  	v1 =	vxor.u32 $0x80000000, v1  }
0x148: {  	v2 =	vxor.u32 $0x80000000, v2;
	(xrf0) =	vmax.scan.msk.u32 $0xffff, v1  }
0x149: {  	v0 =	vxor.u32 $0x80000000, v60;
	(xrf0) =	vmax.scan.msk.u32 $0xffff, v2  }
0x14a: {  	(xrf0) =	vmax.scan.msk.u32 $0xffff, v0;
	_ =	sdelay $0x3  }
0x14b: {  	v61, _, _ =	vpop (xrf0)  }
0x14c: {  	(v2sf) =	vpush v61, $0xF;
	v62, _, _ =	vpop (xrf0)  }
0x14d: {  	(v2sf) =	vpush v62, $0xF;
	v63, _, _ =	vpop (xrf0)  }
0x14e: {  	(v2sf) =	vpush v63, $0xF;
	_ =	sdelay $0xc  }
0x14f: {  	s12 =	spop (v2sf)  }
0x150: {  	s7 =	sshll.u32 s12, $0x4;
	s8 =	spop (v2sf)  }
0x151: {  	s7 =	sand.u32 $0x1FFFFFF0, s7;
	s8 =	sshll.u32 s8, $0x4;
	s13 =	spop (v2sf)  }
0x152: {  	s8 =	sand.u32 $0x1FFFFFF0, s8;
	s7 =	sadd.s32 s3, s7;
	s9 =	sshll.u32 s13, $0x4  }
0x153: {  	[tilespmem:s6], [sflag:$0x1] =	stream.linear.gather [hbm4b:s7+s2], $0x80, $0x38;
	[tilespmem:$0x1C300] =	vst v63  }
0x154: {  	s14 =	sadd.s32 s4, s8;
	s23 =	sand.u32 $0x1FFFFFF0, s9  }
0x155: {  	[tilespmem:s5], [sflag:$0x2] =	stream.linear.gather [hbm4b:s14+s2], $0x80, $0x38;
	[tilespmem:$0x1C300] =	vst v63  }
0x156: {  	s24 =	sadd.s32 s4, s23  }
0x157: {  	[tilespmem:s1], [sflag:$0x3] =	stream.linear.gather [hbm4b:s24+s2], $0x80, $0x38;
	[tilespmem:$0x1C300] =	vst v63  }
0x158: {  	_ =	swait.ge [sflag:s29], $0x80  }
0x159: {  	[sflag:s29] =	ssyncset.done $0x0  }
0x15a: {  	[sflag:s29] =	ssyncadd.s32 $0xFFFFFF80  }
0x15b: {  	_ =	swait.ge [sflag:s30], $0x80  }
0x15c: {  	[sflag:s30] =	ssyncset.done $0x0  }
0x15d: {  	[sflag:s30] =	ssyncadd.s32 $0xFFFFFF80  }
0x15e: {  	_ =	swait.ge [sflag:s31], $0x80  }
0x15f: {  	s1 =	simm.s32 $0x7F;
	[sflag:s31] =	ssyncset.done $0x0  }
.LBB2_12:
0x160: {  	p0 =	sne.s32 s1, $0x1;
	s1 =	sadd.s32 $0xFFFFFFFF, s1;
	[sflag:s31] =	ssyncadd.s32 $0xFFFFFF80  }
0x161: {  	_ =	swait.ge [sflag:s29], $0x80  }
0x162: {  	[sflag:s29] =	ssyncset.done $0x0  }
0x163: {  	[sflag:s29] =	ssyncadd.s32 $0xFFFFFF80  }
.Ltmp5:
0x164: {  	_ =	swait.ge [sflag:s30], $0x80;
	(pc) =	sbr.rel @p0 .LBB2_12-.Ltmp5, $4  }
0x165: {  	[sflag:s30] =	ssyncset.done $0x0  }
0x166: {  	[sflag:s30] =	ssyncadd.s32 $0xFFFFFF80  }
0x167: {  	_ =	swait.ge [sflag:s31], $0x80  }
0x168: {  	[sflag:s31] =	ssyncset.done $0x0  }
0x169: {  	[sflag:s31] =	ssyncadd.s32 $0xFFFFFF80;
	s23 =	simm.s32 $0x0  }
0x16a: {  	v9 =	vld [tilespmem:s23+$0x14310]  }
0x16b: {  	v3 =	vld [tilespmem:s23+$0xC320]  }
0x16c: {  	v10 =	vld [tilespmem:s23+$0xC300]  }
0x16d: {  	v0 =	vld [tilespmem:s23+$0x4320]  }
0x16e: {  	v7 =	vld [tilespmem:s23+$0xC310]  }
0x16f: {  	v11 =	vld [tilespmem:s23+$0x4310]  }
0x170: {  	v2 =	vld [tilespmem:s23+$0x4300]  }
0x171: {  	s1 =	simm.s32 $0x0;
	v4 =	vld [tilespmem:s23+$0x14300]  }
0x172: {  	s8 =	simm.s32 $0x800;
	s13 =	simm.s32 $0x10;
	s24 =	simm.s32 $0x810;
	v1 =	vld [tilespmem:s23+$0xC330]  }
0x173: {  	s7 =	simm.s32 $0x80;
	s10 =	simm.s32 $0x600;
	s11 =	simm.s32 $0x820;
	v6 =	vld [tilespmem:s23+$0x14320]  }
0x174: {  	s14 =	simm.s32 $0x20;
	s5 =	simm.s32 $0x100;
	s9 =	sand.u32 $0x70, s1;
	v5 =	vmul.f32 v3, v0;
	v3 =	vld [tilespmem:s23+$0x4330];
	v8 =	vmul.f32 v7, v11  }
0x175: {  	s6 =	sand.u32 $0x70, s13;
	s1 =	sand.u32 $0x70, s14;
	v7 =	vld [tilespmem:s23+$0x14330];
	v10 =	vmul.f32 v10, v2;
	v9 =	vmul.f32 v9, v11;
	s23 =	simm.s32 $0x820  }
.LBB2_14:
0x176: {  	p0 =	sne.s32 s10, $0xFE00  }
0x177: {  	s11 =	sadd.s32 $0x10, s11;
	v2 =	vmul.f32 v4, v2;
	s12 =	smov.u32 s10;
	s10 =	sadd.s32 $0x200, s10  }
0x178: {  	s13 =	sadd.s32 $0xFFFFF800, s11;
	v4 =	vadd.f32 v8, v10  }
0x179: {  	s13 =	sand.u32 $0x70, s13;
	v2 =	vadd.f32 v9, v2;
	v0 =	vmul.f32 v6, v0  }
0x17a: {  	v4 =	vadd.f32 v5, v4;
	v1 =	vmul.f32 v1, v3  }
0x17b: {  	v0 =	vadd.f32 v0, v2;
	v2 =	vmul.f32 v7, v3  }
0x17c: {  	s14 =	sand.u32 $0xF80, s8;
	s8 =	smov.u32 s24;
	s24 =	smov.u32 s23;
	v1 =	vadd.f32 v1, v4  }
0x17d: {  	s14 =	sor.u32 s9, s14;
	s23 =	smov.u32 s11;
	s9 =	smov.u32 s6;
	v0 =	vadd.f32 v2, v0  }
0x17e: {  	s12 =	sshra.s32 s12, $0x2;
	s6 =	smov.u32 s1;
	s1 =	smov.u32 s13;
	[tilespmem:s14+$0x18300] =	vst v1  }
0x17f: {  	[tilespmem:s14+$0x1A300] =	vst v0  }
0x180: {  	v9 =	vld [tilespmem:s7+$0x14310]  }
0x181: {  	v3 =	vld [tilespmem:s7+$0xC320]  }
0x182: {  	v10 =	vld [tilespmem:s7+$0xC300]  }
0x183: {  	v0 =	vld [tilespmem:s7+$0x4320]  }
0x184: {  	v7 =	vld [tilespmem:s7+$0xC310]  }
0x185: {  	v11 =	vld [tilespmem:s7+$0x4310]  }
0x186: {  	v2 =	vld [tilespmem:s7+$0x4300]  }
.Ltmp6:
0x187: {  	v4 =	vld [tilespmem:s7+$0x14300];
	(pc) =	sbr.rel @p0 .LBB2_14-.Ltmp6, $4  }
0x188: {  	v1 =	vld [tilespmem:s7+$0xC330];
	v5 =	vmul.f32 v3, v0  }
0x189: {  	v6 =	vld [tilespmem:s7+$0x14320]  }
0x18a: {  	v3 =	vld [tilespmem:s7+$0x4330];
	v8 =	vmul.f32 v7, v11  }
0x18b: {  	v9 =	vmul.f32 v9, v11;
	v7 =	vld [tilespmem:s7+$0x14330];
	v10 =	vmul.f32 v10, v2;
	s7 =	smov.u32 s5;
	s5 =	smov.u32 s12  }
0x18c: {  	v2 =	vmul.f32 v4, v2  }
0x18d: {  	v46 =	vadd.f32 v8, v10  }
0x18e: {  	v2 =	vadd.f32 v9, v2;
	v0 =	vmul.f32 v6, v0  }
0x18f: {  	v4 =	vadd.f32 v5, v46;
	v1 =	vmul.f32 v1, v3  }
0x190: {  	v0 =	vadd.f32 v0, v2;
	v2 =	vmul.f32 v7, v3  }
0x191: {  	s8 =	sand.u32 $0xF80, s8;
	v1 =	vadd.f32 v1, v4  }
0x192: {  	s8 =	sor.u32 s9, s8;
	v0 =	vadd.f32 v2, v0  }
0x193: {  	[tilespmem:s8+$0x18300] =	vst v1  }
0x194: {  	[tilespmem:s8+$0x1A300] =	vst v0  }
0x195: {  	v0 =	vld [tilespmem:s7+$0x14310]  }
0x196: {  	v1 =	vld [tilespmem:s7+$0xC320]  }
0x197: {  	v2 =	vld [tilespmem:s7+$0xC300]  }
0x198: {  	v3 =	vld [tilespmem:s7+$0x4320]  }
0x199: {  	v47 =	vld [tilespmem:s7+$0xC310]  }
0x19a: {  	v48 =	vld [tilespmem:s7+$0x4310]  }
0x19b: {  	v49 =	vld [tilespmem:s7+$0x4300]  }
0x19c: {  	v50 =	vld [tilespmem:s7+$0x14300]  }
0x19d: {  	v51 =	vld [tilespmem:s7+$0xC330]  }
0x19e: {  	v52 =	vld [tilespmem:s7+$0x14320]  }
0x19f: {  	v53 =	vld [tilespmem:s7+$0x4330]  }
0x1a0: {  	v11 =	vld [tilespmem:s7+$0x14330];
	v4 =	vmul.f32 v47, v48;
	v2 =	vmul.f32 v2, v49  }
0x1a1: {  	v0 =	vmul.f32 v0, v48;
	v54 =	vmul.f32 v50, v49  }
0x1a2: {  	v1 =	vmul.f32 v1, v3;
	v2 =	vadd.f32 v4, v2  }
0x1a3: {  	v3 =	vmul.f32 v52, v3;
	v0 =	vadd.f32 v0, v54  }
0x1a4: {  	v1 =	vadd.f32 v1, v2;
	v2 =	vmul.f32 v51, v53  }
0x1a5: {  	v0 =	vadd.f32 v3, v0;
	v3 =	vmul.f32 v11, v53  }
0x1a6: {  	s13 =	sand.u32 $0xF80, s24;
	v1 =	vadd.f32 v2, v1  }
0x1a7: {  	s6 =	sor.u32 s6, s13;
	v0 =	vadd.f32 v3, v0  }
0x1a8: {  	[tilespmem:s6+$0x18300] =	vst v1  }
0x1a9: {  	[tilespmem:s6+$0x1A300] =	vst v0  }
0x1aa: {  	v0 =	vld [tilespmem:s5+$0x14310]  }
0x1ab: {  	v1 =	vld [tilespmem:s5+$0xC320]  }
0x1ac: {  	v2 =	vld [tilespmem:s5+$0xC300]  }
0x1ad: {  	v3 =	vld [tilespmem:s5+$0x4320]  }
0x1ae: {  	v55 =	vld [tilespmem:s5+$0xC310]  }
0x1af: {  	v56 =	vld [tilespmem:s5+$0x4310]  }
0x1b0: {  	v57 =	vld [tilespmem:s5+$0x4300]  }
0x1b1: {  	v58 =	vld [tilespmem:s5+$0x14300]  }
0x1b2: {  	v59 =	vld [tilespmem:s5+$0xC330]  }
0x1b3: {  	v60 =	vld [tilespmem:s5+$0x14320]  }
0x1b4: {  	v61 =	vld [tilespmem:s5+$0x4330]  }
0x1b5: {  	v62 =	vld [tilespmem:s5+$0x14330];
	v4 =	vmul.f32 v55, v56;
	v2 =	vmul.f32 v2, v57  }
0x1b6: {  	v0 =	vmul.f32 v0, v56;
	v63 =	vmul.f32 v58, v57  }
0x1b7: {  	v1 =	vmul.f32 v1, v3;
	v2 =	vadd.f32 v4, v2  }
0x1b8: {  	v3 =	vmul.f32 v60, v3;
	v0 =	vadd.f32 v0, v63  }
0x1b9: {  	v1 =	vadd.f32 v1, v2;
	v2 =	vmul.f32 v59, v61  }
0x1ba: {  	v0 =	vadd.f32 v3, v0;
	v3 =	vmul.f32 v62, v61  }
0x1bb: {  	s14 =	sand.u32 $0xF80, s23;
	v1 =	vadd.f32 v2, v1  }
0x1bc: {  	s1 =	sor.u32 s1, s14;
	v0 =	vadd.f32 v3, v0  }
0x1bd: {  	[tilespmem:s1+$0x18300] =	vst v1  }
0x1be: {  	s23 =	simm.s32 $0x80;
	s24 =	rddreg [dreg:$0xe];
	[tilespmem:s1+$0x1A300] =	vst v0  }
0x1bf: {  	[tilespmem:s23], [sflag:$0x7] =	stream.linear.gather [hbm4b:s24+s2], $0x80, $0x38;
	[tilespmem:$0x1C300] =	vst v63  }
0x1c0: {  	_ =	swait.ge [sflag:s20], $0x80  }
0x1c1: {  	[sflag:s20] =	ssyncset.done $0x0  }
0x1c2: {  	s13 =	simm.s32 $0x180;
	[sflag:s20] =	ssyncadd.s32 $0xFFFFFF80  }
0x1c3: {  	[tilespmem:s13], [sflag:$0x7] =	stream.linear.gather [hbm4b:s15+s2], $0x80, $0x38;
	[tilespmem:$0x1C300] =	vst v63  }
0x1c4: {  	_ =	swait.ge [sflag:s20], $0x80  }
0x1c5: {  	[sflag:s20] =	ssyncset.done $0x0  }
0x1c6: {  	s14 =	simm.s32 $0x280;
	v0 =	vmov s23;
	[sflag:s20] =	ssyncadd.s32 $0xFFFFFF80  }
0x1c7: {  	[tilespmem:s14], [sflag:$0x7] =	stream.linear.gather [hbm4b:s16+s2], $0x80, $0x38;
	[tilespmem:$0x1C300] =	vst v63  }
0x1c8: {  	_ =	swait.ge [sflag:s20], $0x80  }
0x1c9: {  	[sflag:s20] =	ssyncset.done $0x0  }
0x1ca: {  	[sflag:s20] =	ssyncadd.s32 $0xFFFFFF80  }
0x1cb: {  	v1 =	vld.idx.msk [tilespmem:v0+s2+$0x0], $0xffff  }
0x1cc: {  	v2 =	vld.idx.msk [tilespmem:v0+s21+$0x0], $0xffff;
	_ =	sdelay $0x1  }
0x1cd: {  	v0 =	vld.idx.msk [tilespmem:v0+s22+$0x0], $0xffff;
	_ =	sdelay $0x1  }
0x1ce: {  	v1 =	vxor.u32 $0x80000000, v1  }
0x1cf: {  	v2 =	vxor.u32 $0x80000000, v2;
	(xrf0) =	vmax.scan.msk.u32 $0xffff, v1  }
0x1d0: {  	(xrf0) =	vmax.scan.msk.u32 $0xffff, v2  }
0x1d1: {  	v0 =	vxor.u32 $0x80000000, v0  }
0x1d2: {  	(xrf0) =	vmax.scan.msk.u32 $0xffff, v0;
	_ =	sdelay $0x2  }
0x1d3: {  	v0, _, _ =	vpop (xrf0)  }
0x1d4: {  	(v2sf) =	vpush v0, $0xF;
	v0, _, _ =	vpop (xrf0)  }
0x1d5: {  	(v2sf) =	vpush v0, $0xF  }
0x1d6: {  	v0, _, _ =	vpop (xrf0)  }
0x1d7: {  	(v2sf) =	vpush v0, $0xF;
	_ =	sdelay $0xa  }
0x1d8: {  	s11 =	simm.s32 $0x81  }
0x1d9: {  	s8 =	simm.s32 $0x82;
	s7 =	simm.s32 $0xC300;
	s10 =	spop (v2sf)  }
0x1da: {  	s6 =	simm.s32 $0x4300;
	s5 =	sshll.u32 s10, $0x4;
	s12 =	spop (v2sf)  }
0x1db: {  	s1 =	simm.s32 $0x14380;
	s5 =	sand.u32 $0x1FFFFFF0, s5;
	s9 =	sshll.u32 s12, $0x4  }
0x1dc: {  	s10 =	spop (v2sf);
	s9 =	sand.u32 $0x1FFFFFF0, s9;
	s5 =	sadd.s32 s3, s5  }
0x1dd: {  	[tilespmem:s6], [sflag:$0x4] =	stream.linear.gather [hbm4b:s5+s2], $0x80, $0x38;
	[tilespmem:$0x1C300] =	vst v63  }
0x1de: {  	s23 =	simm.s32 $0x14300;
	s24 =	sshll.u32 s10, $0x4;
	s9 =	sadd.s32 s4, s9  }
0x1df: {  	v0 =	vmov s11;
	s10 =	sand.u32 $0x1FFFFFF0, s24;
	s6 =	simm.s32 $0x4380;
	s5 =	simm.s32 $0xC380  }
.LBB2_16:
0x1e0: {  	[tilespmem:s7], [sflag:$0x5] =	stream.linear.gather [hbm4b:s9+s2], $0x80, $0x38;
	[tilespmem:$0x1C300] =	vst v63  }
0x1e1: {  	s9 =	smov.u32 s8;
	s7 =	smov.u32 s5  }
0x1e2: {  	p0 =	sne.s32 s8, $0xFF;
	s8 =	sadd.s32 $0x1, s8;
	s10 =	sadd.s32 s4, s10  }
0x1e3: {  	[tilespmem:s23], [sflag:$0x6] =	stream.linear.gather [hbm4b:s10+s2], $0x80, $0x38;
	[tilespmem:$0x1C300] =	vst v63  }
0x1e4: {  	s23 =	smov.u32 s1;
	v1 =	vld.idx.msk [tilespmem:v0+s2+$0x0], $0xffff  }
0x1e5: {  	v2 =	vld.idx.msk [tilespmem:v0+s21+$0x0], $0xffff;
	_ =	sdelay $0x1  }
0x1e6: {  	v0 =	vld.idx.msk [tilespmem:v0+s22+$0x0], $0xffff;
	_ =	sdelay $0x2  }
0x1e7: {  	v1 =	vxor.u32 $0x80000000, v1  }
0x1e8: {  	v2 =	vxor.u32 $0x80000000, v2;
	(xrf0) =	vmax.scan.msk.u32 $0xffff, v1  }
0x1e9: {  	(xrf0) =	vmax.scan.msk.u32 $0xffff, v2  }
0x1ea: {  	v0 =	vxor.u32 $0x80000000, v0  }
0x1eb: {  	(xrf0) =	vmax.scan.msk.u32 $0xffff, v0;
	_ =	sdelay $0x2  }
0x1ec: {  	v0, _, _ =	vpop (xrf0)  }
0x1ed: {  	(v2sf) =	vpush v0, $0xF;
	v0, _, _ =	vpop (xrf0)  }
0x1ee: {  	(v2sf) =	vpush v0, $0xF  }
0x1ef: {  	v0, _, _ =	vpop (xrf0)  }
0x1f0: {  	(v2sf) =	vpush v0, $0xF;
	_ =	sdelay $0xb  }
0x1f1: {  	s10 =	spop (v2sf)  }
0x1f2: {  	s10 =	sshll.u32 s10, $0x4;
	s11 =	spop (v2sf)  }
.Ltmp7:
0x1f3: {  	s10 =	sand.u32 $0x1FFFFFF0, s10;
	s11 =	sshll.u32 s11, $0x4;
	(pc) =	sbr.rel @p0 .LBB2_16-.Ltmp7, $4  }
0x1f4: {  	s1 =	sadd.s32 $0x80, s1;
	s11 =	sand.u32 $0x1FFFFFF0, s11;
	s12 =	spop (v2sf)  }
0x1f5: {  	v0 =	vmov s9;
	s10 =	sadd.s32 s3, s10;
	s9 =	sadd.s32 s4, s11;
	s11 =	sshll.u32 s12, $0x4  }
0x1f6: {  	[tilespmem:s6], [sflag:$0x4] =	stream.linear.gather [hbm4b:s10+s2], $0x80, $0x38;
	[tilespmem:$0x1C300] =	vst v63  }
0x1f7: {  	s5 =	sadd.s32 $0x80, s5;
	s10 =	sand.u32 $0x1FFFFFF0, s11;
	s6 =	sadd.s32 $0x80, s6  }
0x1f8: {  	_ = 	snop  }
0x1f9: {  	[tilespmem:s7], [sflag:$0x5] =	stream.linear.gather [hbm4b:s9+s2], $0x80, $0x38;
	[tilespmem:$0x1C300] =	vst v63  }
0x1fa: {  	s9 =	sadd.s32 s4, s10  }
0x1fb: {  	[tilespmem:s23], [sflag:$0x6] =	stream.linear.gather [hbm4b:s9+s2], $0x80, $0x38;
	[tilespmem:$0x1C300] =	vst v63  }
0x1fc: {  	v1 =	vld.idx.msk [tilespmem:v0+s2+$0x0], $0xffff  }
0x1fd: {  	v2 =	vld.idx.msk [tilespmem:v0+s21+$0x0], $0xffff  }
0x1fe: {  	v60 =	vld.idx.msk [tilespmem:v0+s22+$0x0], $0xffff;
	_ =	sdelay $0x2  }
0x1ff: {  	v1 =	vxor.u32 $0x80000000, v1  }
0x200: {  	v2 =	vxor.u32 $0x80000000, v2;
	(xrf0) =	vmax.scan.msk.u32 $0xffff, v1  }
0x201: {  	v0 =	vxor.u32 $0x80000000, v60;
	(xrf0) =	vmax.scan.msk.u32 $0xffff, v2  }
0x202: {  	(xrf0) =	vmax.scan.msk.u32 $0xffff, v0;
	_ =	sdelay $0x3  }
0x203: {  	v61, _, _ =	vpop (xrf0)  }
0x204: {  	(v2sf) =	vpush v61, $0xF;
	v62, _, _ =	vpop (xrf0)  }
0x205: {  	(v2sf) =	vpush v62, $0xF;
	v63, _, _ =	vpop (xrf0)  }
0x206: {  	(v2sf) =	vpush v63, $0xF;
	_ =	sdelay $0xc  }
0x207: {  	s10 =	spop (v2sf)  }
0x208: {  	s7 =	sshll.u32 s10, $0x4;
	s8 =	spop (v2sf)  }
0x209: {  	s7 =	sand.u32 $0x1FFFFFF0, s7;
	s8 =	sshll.u32 s8, $0x4;
	s11 =	spop (v2sf)  }
0x20a: {  	s8 =	sand.u32 $0x1FFFFFF0, s8;
	s7 =	sadd.s32 s3, s7;
	s9 =	sshll.u32 s11, $0x4  }
0x20b: {  	[tilespmem:s6], [sflag:$0x4] =	stream.linear.gather [hbm4b:s7+s2], $0x80, $0x38;
	[tilespmem:$0x1C300] =	vst v63  }
0x20c: {  	s12 =	sadd.s32 s4, s8;
	s23 =	sand.u32 $0x1FFFFFF0, s9  }
0x20d: {  	[tilespmem:s5], [sflag:$0x5] =	stream.linear.gather [hbm4b:s12+s2], $0x80, $0x38;
	[tilespmem:$0x1C300] =	vst v63  }
0x20e: {  	s24 =	sadd.s32 s4, s23  }
0x20f: {  	[tilespmem:s1], [sflag:$0x6] =	stream.linear.gather [hbm4b:s24+s2], $0x80, $0x38;
	[tilespmem:$0x1C300] =	vst v63  }
0x210: {  	_ =	swait.ge [sflag:s25], $0x80  }
0x211: {  	[sflag:s25] =	ssyncset.done $0x0  }
0x212: {  	[sflag:s25] =	ssyncadd.s32 $0xFFFFFF80  }
0x213: {  	_ =	swait.ge [sflag:s26], $0x80  }
0x214: {  	[sflag:s26] =	ssyncset.done $0x0  }
0x215: {  	[sflag:s26] =	ssyncadd.s32 $0xFFFFFF80  }
0x216: {  	_ =	swait.ge [sflag:s28], $0x80  }
0x217: {  	s1 =	simm.s32 $0x7F;
	[sflag:s28] =	ssyncset.done $0x0  }
.LBB2_18:
0x218: {  	p0 =	sne.s32 s1, $0x1;
	s1 =	sadd.s32 $0xFFFFFFFF, s1;
	[sflag:s28] =	ssyncadd.s32 $0xFFFFFF80  }
0x219: {  	_ =	swait.ge [sflag:s25], $0x80  }
0x21a: {  	[sflag:s25] =	ssyncset.done $0x0  }
0x21b: {  	[sflag:s25] =	ssyncadd.s32 $0xFFFFFF80  }
.Ltmp8:
0x21c: {  	_ =	swait.ge [sflag:s26], $0x80;
	(pc) =	sbr.rel @p0 .LBB2_18-.Ltmp8, $4  }
0x21d: {  	[sflag:s26] =	ssyncset.done $0x0  }
0x21e: {  	[sflag:s26] =	ssyncadd.s32 $0xFFFFFF80  }
0x21f: {  	_ =	swait.ge [sflag:s28], $0x80  }
0x220: {  	[sflag:s28] =	ssyncset.done $0x0  }
0x221: {  	[sflag:s28] =	ssyncadd.s32 $0xFFFFFF80;
	s1 =	simm.s32 $0x0  }
0x222: {  	v0 =	vld [tilespmem:s1+$0x8330]  }
0x223: {  	v1 =	vld [tilespmem:s1+$0x8320]  }
0x224: {  	v2 =	vld [tilespmem:s1+$0x10300]  }
0x225: {  	v3 =	vld [tilespmem:s1+$0x8300]  }
0x226: {  	v4 =	vld [tilespmem:s1+$0x8310]  }
0x227: {  	v5 =	vld [tilespmem:s1+$0x300]  }
0x228: {  	v6 =	vld [tilespmem:s1+$0x310]  }
0x229: {  	v7 =	vld [tilespmem:s1+$0x10310]  }
0x22a: {  	v8 =	vld [tilespmem:s1+$0x320]  }
0x22b: {  	v9 =	vld [tilespmem:s1+$0x10320]  }
0x22c: {  	v10 =	vld [tilespmem:s1+$0x330]  }
0x22d: {  	v11 =	vld [tilespmem:s1+$0x10330];
	v3 =	vmul.f32 v3, v5;
	v4 =	vmul.f32 v4, v6  }
0x22e: {  	v2 =	vmul.f32 v2, v5;
	v5 =	vmul.f32 v7, v6  }
0x22f: {  	v1 =	vmul.f32 v1, v8;
	v3 =	vadd.f32 v4, v3  }
0x230: {  	v2 =	vadd.f32 v5, v2;
	v4 =	vmul.f32 v9, v8  }
0x231: {  	v0 =	vmul.f32 v0, v10;
	v1 =	vadd.f32 v1, v3  }
0x232: {  	v2 =	vadd.f32 v4, v2;
	v3 =	vmul.f32 v11, v10  }
0x233: {  	v0 =	vadd.f32 v0, v1  }
0x234: {  	s1 =	simm.s32 $0x19300;
	v1 =	vadd.f32 v3, v2  }
0x235: {  	s5 =	simm.s32 $0x1B300;
	[tilespmem:s1+$0x0] =	vst v0  }
0x236: {  	s7 =	simm.s32 $0x80;
	[tilespmem:s5+$0x0] =	vst v1  }
0x237: {  	v0 =	vld [tilespmem:s7+$0x8330]  }
0x238: {  	v1 =	vld [tilespmem:s7+$0x8320]  }
0x239: {  	v2 =	vld [tilespmem:s7+$0x10300]  }
0x23a: {  	v3 =	vld [tilespmem:s7+$0x8300]  }
0x23b: {  	v5 =	vld [tilespmem:s7+$0x8310]  }
0x23c: {  	v4 =	vld [tilespmem:s7+$0x300]  }
0x23d: {  	s6 =	simm.s32 $0x400;
	v6 =	vld [tilespmem:s7+$0x310]  }
.LBB2_20:
0x23e: {  	p0 =	sne.s32 s6, $0xFE00;
	v7 =	vld [tilespmem:s7+$0x10310]  }
0x23f: {  	v8 =	vld [tilespmem:s7+$0x320]  }
0x240: {  	v9 =	vld [tilespmem:s7+$0x10320]  }
0x241: {  	v10 =	vld [tilespmem:s7+$0x330]  }
0x242: {  	v3 =	vmul.f32 v3, v4;
	v11 =	vld [tilespmem:s7+$0x10330];
	v5 =	vmul.f32 v5, v6  }
0x243: {  	v2 =	vmul.f32 v2, v4;
	v4 =	vmul.f32 v7, v6  }
0x244: {  	v3 =	vadd.f32 v5, v3;
	v1 =	vmul.f32 v1, v8  }
0x245: {  	v2 =	vadd.f32 v4, v2;
	v4 =	vmul.f32 v9, v8  }
0x246: {  	v1 =	vadd.f32 v1, v3;
	v0 =	vmul.f32 v0, v10  }
0x247: {  	v2 =	vadd.f32 v4, v2;
	v3 =	vmul.f32 v11, v10  }
0x248: {  	v0 =	vadd.f32 v0, v1  }
0x249: {  	s1 =	sadd.s32 $0x10, s1;
	v1 =	vadd.f32 v3, v2  }
0x24a: {  	s5 =	sadd.s32 $0x10, s5;
	[tilespmem:s1+$0x0] =	vst v0  }
0x24b: {  	s7 =	sshra.s32 s6, $0x2;
	[tilespmem:s5+$0x0] =	vst v1  }
0x24c: {  	v0 =	vld [tilespmem:s7+$0x8330]  }
0x24d: {  	v1 =	vld [tilespmem:s7+$0x8320]  }
.Ltmp9:
0x24e: {  	v2 =	vld [tilespmem:s7+$0x10300];
	(pc) =	sbr.rel @p0 .LBB2_20-.Ltmp9, $4  }
0x24f: {  	v3 =	vld [tilespmem:s7+$0x8300]  }
0x250: {  	v5 =	vld [tilespmem:s7+$0x8310]  }
0x251: {  	v4 =	vld [tilespmem:s7+$0x300]  }
0x252: {  	s6 =	sadd.s32 $0x200, s6;
	v6 =	vld [tilespmem:s7+$0x310]  }
0x253: {  	v7 =	vld [tilespmem:s7+$0x10310]  }
0x254: {  	v8 =	vld [tilespmem:s7+$0x320]  }
0x255: {  	v9 =	vld [tilespmem:s7+$0x10320]  }
0x256: {  	v10 =	vld [tilespmem:s7+$0x330]  }
0x257: {  	v11 =	vld [tilespmem:s7+$0x10330];
	v3 =	vmul.f32 v3, v4;
	v5 =	vmul.f32 v5, v6  }
0x258: {  	v2 =	vmul.f32 v2, v4;
	v60 =	vmul.f32 v7, v6  }
0x259: {  	v1 =	vmul.f32 v1, v8;
	v3 =	vadd.f32 v5, v3  }
0x25a: {  	v61 =	vmul.f32 v9, v8;
	v2 =	vadd.f32 v60, v2  }
0x25b: {  	v0 =	vmul.f32 v0, v10;
	v1 =	vadd.f32 v1, v3  }
0x25c: {  	v62 =	vmul.f32 v11, v10;
	v2 =	vadd.f32 v61, v2  }
0x25d: {  	v0 =	vadd.f32 v0, v1  }
0x25e: {  	s1 =	sadd.s32 $0x10, s1;
	v63 =	vadd.f32 v62, v2  }
0x25f: {  	s24 =	sadd.s32 $0x10, s5;
	[tilespmem:s1+$0x0] =	vst v0  }
0x260: {  	[tilespmem:s24+$0x0] =	vst v63  }
0x261: {  	_ =	swait.ge [sflag:s29], $0x80  }
0x262: {  	[sflag:s29] =	ssyncset.done $0x0  }
0x263: {  	[sflag:s29] =	ssyncadd.s32 $0xFFFFFF80  }
0x264: {  	_ =	swait.ge [sflag:s30], $0x80  }
0x265: {  	[sflag:s30] =	ssyncset.done $0x0  }
0x266: {  	[sflag:s30] =	ssyncadd.s32 $0xFFFFFF80  }
0x267: {  	_ =	swait.ge [sflag:s31], $0x80  }
0x268: {  	s1 =	simm.s32 $0x7F;
	[sflag:s31] =	ssyncset.done $0x0  }
.LBB2_22:
0x269: {  	p0 =	sne.s32 s1, $0x1;
	s1 =	sadd.s32 $0xFFFFFFFF, s1;
	[sflag:s31] =	ssyncadd.s32 $0xFFFFFF80  }
0x26a: {  	_ =	swait.ge [sflag:s29], $0x80  }
0x26b: {  	[sflag:s29] =	ssyncset.done $0x0  }
0x26c: {  	[sflag:s29] =	ssyncadd.s32 $0xFFFFFF80  }
.Ltmp10:
0x26d: {  	_ =	swait.ge [sflag:s30], $0x80;
	(pc) =	sbr.rel @p0 .LBB2_22-.Ltmp10, $4  }
0x26e: {  	[sflag:s30] =	ssyncset.done $0x0  }
0x26f: {  	[sflag:s30] =	ssyncadd.s32 $0xFFFFFF80  }
0x270: {  	_ =	swait.ge [sflag:s31], $0x80  }
0x271: {  	[sflag:s31] =	ssyncset.done $0x0  }
0x272: {  	[sflag:s31] =	ssyncadd.s32 $0xFFFFFF80;
	s1 =	simm.s32 $0x0  }
0x273: {  	v0 =	vld [tilespmem:s1+$0xC330]  }
0x274: {  	v1 =	vld [tilespmem:s1+$0xC320]  }
0x275: {  	v2 =	vld [tilespmem:s1+$0x14300]  }
0x276: {  	v3 =	vld [tilespmem:s1+$0xC300]  }
0x277: {  	v4 =	vld [tilespmem:s1+$0xC310]  }
0x278: {  	v5 =	vld [tilespmem:s1+$0x4300]  }
0x279: {  	v6 =	vld [tilespmem:s1+$0x4310]  }
0x27a: {  	v7 =	vld [tilespmem:s1+$0x14310]  }
0x27b: {  	v8 =	vld [tilespmem:s1+$0x4320]  }
0x27c: {  	v9 =	vld [tilespmem:s1+$0x14320]  }
0x27d: {  	v10 =	vld [tilespmem:s1+$0x4330]  }
0x27e: {  	v11 =	vld [tilespmem:s1+$0x14330];
	v3 =	vmul.f32 v3, v5;
	v4 =	vmul.f32 v4, v6  }
0x27f: {  	v2 =	vmul.f32 v2, v5;
	v5 =	vmul.f32 v7, v6  }
0x280: {  	v1 =	vmul.f32 v1, v8;
	v3 =	vadd.f32 v4, v3  }
0x281: {  	v2 =	vadd.f32 v5, v2;
	v4 =	vmul.f32 v9, v8  }
0x282: {  	v0 =	vmul.f32 v0, v10;
	v1 =	vadd.f32 v1, v3  }
0x283: {  	v2 =	vadd.f32 v4, v2;
	v3 =	vmul.f32 v11, v10  }
0x284: {  	v0 =	vadd.f32 v0, v1  }
0x285: {  	s1 =	simm.s32 $0x19B00;
	v1 =	vadd.f32 v3, v2  }
0x286: {  	s5 =	simm.s32 $0x1BB00;
	[tilespmem:s1+$0x0] =	vst v0  }
0x287: {  	s7 =	simm.s32 $0x80;
	[tilespmem:s5+$0x0] =	vst v1  }
0x288: {  	v0 =	vld [tilespmem:s7+$0xC330]  }
0x289: {  	v1 =	vld [tilespmem:s7+$0xC320]  }
0x28a: {  	v2 =	vld [tilespmem:s7+$0x14300]  }
0x28b: {  	v3 =	vld [tilespmem:s7+$0xC300]  }
0x28c: {  	v5 =	vld [tilespmem:s7+$0xC310]  }
0x28d: {  	v4 =	vld [tilespmem:s7+$0x4300]  }
0x28e: {  	s6 =	simm.s32 $0x400;
	v6 =	vld [tilespmem:s7+$0x4310]  }
.LBB2_24:
0x28f: {  	p0 =	sne.s32 s6, $0xFE00;
	v7 =	vld [tilespmem:s7+$0x14310]  }
0x290: {  	v8 =	vld [tilespmem:s7+$0x4320]  }
0x291: {  	v9 =	vld [tilespmem:s7+$0x14320]  }
0x292: {  	v10 =	vld [tilespmem:s7+$0x4330]  }
0x293: {  	v3 =	vmul.f32 v3, v4;
	v11 =	vld [tilespmem:s7+$0x14330];
	v5 =	vmul.f32 v5, v6  }
0x294: {  	v2 =	vmul.f32 v2, v4;
	v4 =	vmul.f32 v7, v6  }
0x295: {  	v3 =	vadd.f32 v5, v3;
	v1 =	vmul.f32 v1, v8  }
0x296: {  	v2 =	vadd.f32 v4, v2;
	v4 =	vmul.f32 v9, v8  }
0x297: {  	v1 =	vadd.f32 v1, v3;
	v0 =	vmul.f32 v0, v10  }
0x298: {  	v2 =	vadd.f32 v4, v2;
	v3 =	vmul.f32 v11, v10  }
0x299: {  	v0 =	vadd.f32 v0, v1  }
0x29a: {  	s1 =	sadd.s32 $0x10, s1;
	v1 =	vadd.f32 v3, v2  }
0x29b: {  	s5 =	sadd.s32 $0x10, s5;
	[tilespmem:s1+$0x0] =	vst v0  }
0x29c: {  	s7 =	sshra.s32 s6, $0x2;
	[tilespmem:s5+$0x0] =	vst v1  }
0x29d: {  	v0 =	vld [tilespmem:s7+$0xC330]  }
0x29e: {  	v1 =	vld [tilespmem:s7+$0xC320]  }
.Ltmp11:
0x29f: {  	v2 =	vld [tilespmem:s7+$0x14300];
	(pc) =	sbr.rel @p0 .LBB2_24-.Ltmp11, $4  }
0x2a0: {  	v3 =	vld [tilespmem:s7+$0xC300]  }
0x2a1: {  	v5 =	vld [tilespmem:s7+$0xC310]  }
0x2a2: {  	v4 =	vld [tilespmem:s7+$0x4300]  }
0x2a3: {  	s6 =	sadd.s32 $0x200, s6;
	v6 =	vld [tilespmem:s7+$0x4310]  }
0x2a4: {  	v7 =	vld [tilespmem:s7+$0x14310]  }
0x2a5: {  	v8 =	vld [tilespmem:s7+$0x4320]  }
0x2a6: {  	v9 =	vld [tilespmem:s7+$0x14320]  }
0x2a7: {  	v10 =	vld [tilespmem:s7+$0x4330]  }
0x2a8: {  	v11 =	vld [tilespmem:s7+$0x14330];
	v3 =	vmul.f32 v3, v4;
	v5 =	vmul.f32 v5, v6  }
0x2a9: {  	v2 =	vmul.f32 v2, v4;
	v60 =	vmul.f32 v7, v6  }
0x2aa: {  	v1 =	vmul.f32 v1, v8;
	v3 =	vadd.f32 v5, v3  }
0x2ab: {  	v61 =	vmul.f32 v9, v8;
	v2 =	vadd.f32 v60, v2  }
0x2ac: {  	v0 =	vmul.f32 v0, v10;
	v1 =	vadd.f32 v1, v3  }
0x2ad: {  	v62 =	vmul.f32 v11, v10;
	v2 =	vadd.f32 v61, v2  }
0x2ae: {  	v0 =	vadd.f32 v0, v1  }
0x2af: {  	s1 =	sadd.s32 $0x10, s1;
	v63 =	vadd.f32 v62, v2  }
0x2b0: {  	s12 =	sadd.s32 $0x10, s5;
	[tilespmem:s1+$0x0] =	vst v0  }
0x2b1: {  	s23 =	simm.s32 $0x18300;
	[tilespmem:s12+$0x0] =	vst v63  }
0x2b2: {  	[hbm4b:s17+s2] =	stream.linear.scatter [tilespmem:s23], [sflag:$0x7], $0x2000, $0x38;
	[tilespmem:$0x1C300] =	vst v63  }
0x2b3: {  	s0 =	sadd.s32 $0x1, s0;
	_ =	swait.ge [sflag:s20], $0x2000  }
0x2b4: {  	p0 =	sne.s32 s0, s19;
	[sflag:s20] =	ssyncset.done $0x0  }
.Ltmp12:
0x2b5: {  	s24 =	simm.s32 $0x1A300;
	[sflag:s20] =	ssyncadd.s32 $0xFFFFE000;
	(pc) =	sbr.rel @p0 .LBB2_1-.Ltmp12, $4  }
0x2b6: {  	[hbm4b:s18+s2] =	stream.linear.scatter [tilespmem:s24], [sflag:$0x7], $0x2000, $0x38;
	[tilespmem:$0x1C300] =	vst v63  }
0x2b7: {  	_ =	swait.ge [sflag:s20], $0x2000  }
0x2b8: {  	[sflag:s20] =	ssyncset.done $0x0  }
0x2b9: {  	[sflag:s20] =	ssyncadd.s32 $0xFFFFE000  }
0x2ba: {  	_ =	sfence.sel $0x180000  }
0x2bb: {  	[bflag:$0x0] =	sbarrier.arrive $0xFFFF  }
0x2bc: {  	_ =	strace $0x90000047  }
0x2bd: {  	s0 =	stileid.u32;
	[bflag:$0x2] =	sbarrier.arrive $0xFFFF  }
0x2be: {  	p0 =	sne.s32 s0, $0x0;
	s0 =	rddreg [dreg:$0x4]  }
0x2bf: {  	s0 =	sadd.s32 @!p0 $0x100000, s0  }
0x2c0: {  	[sflag:s0] =	ssyncadd.tile.s32 @!p0 $0x1;
	_ =	shalt  }
.Lfunc_end2:
_tile_overlayer_lowered:
.L_overlay_start_2:
0x2c1: {  	(tag) =	ssettag $0x2  }
0x2c2: {  	s0 =	rddreg [dreg:$0x0];
	s2 =	stileid.u32  }
0x2c3: {  	s1 =	rddreg [dreg:$0x1];
	p0 =	sne.s32 s2, $0x0  }
0x2c4: {  	s3 =	rddreg [dreg:$0x2];
	[bflag:$0x3] =	sbarrier.arrive $0xFFFF;
	s2 =	simm.s32 @!p0 $0x1C07  }
0x2c5: {  	[timem:s3], [sflag:s2] =	dma.local @!p0 [hbm:s0], s1  }
0x2c6: {  	s0 =	simm.s32 @!p0 $0x7  }
0x2c7: {  	_ =	swait.ge @!p0 [sflag:s0], s1  }
0x2c8: {  	s1 =	ssub.s32 @!p0 $0x0, s1;
	[sflag:s0] =	ssyncset.done @!p0 $0x0  }
0x2c9: {  	[sflag:s0] =	ssyncadd.s32 @!p0 s1  }
0x2ca: {  	[bflag:$0x3] =	sbarrier.arrive $0xFFFF  }
0x2cb: {  	_ =	shalt  }

</sc_bundles>
